<compile_context>
chip_gen: v7x
topology: tpu7x:2x2x1
jax: 0.10.2.dev20260603
libtpu: 0.0.44.dev20260713+nightly
codegen_flags: <defaults>
</compile_context>

<pallas_src>
import functools

import jax
import jax.numpy as jnp
from jax import lax
from jax.experimental import pallas as pl
from jax.experimental.pallas import tpu as pltpu
from jax.experimental.pallas import tpu_sc as plsc

N = 100000
E = 1600000
T = 50
HID = 256

NC = 2
NS = 16
NW = NC * NS
NPT = 3200
N_PAD = NW * NPT
EPT = 50176
E_PAD = NW * EPT
CH = 7168
NCH = EPT // CH
NV = NPT // 16

NB = 3200
N_GRID = N_PAD // NB


def _std_body(pT_ref, out_ref):
    x = pT_ref[...]
    s1 = jnp.sum(x, axis=1)
    s2 = jnp.sum(x * x, axis=1)
    out_ref[...] = jnp.pad(jnp.stack([s1, s2]), ((0, 0), (0, 125)))


def _col_stats(params_T):
    return pl.pallas_call(
        _std_body,
        out_shape=jax.ShapeDtypeStruct((2, 128), jnp.float32),
    )(params_T)


def _mlp_body(p_ref, w1_ref, b1_ref, w2_ref, b2_ref, w3_ref, b3_ref,
              stat_ref, k_ref, a_ref, b_ref):
    i = pl.program_id(0)
    s1 = stat_ref[0:1, 0:3] * (1.0 / N)
    s2 = stat_ref[1:2, 0:3] * (1.0 / N)
    stds = jnp.sqrt(jnp.maximum(s2 - s1 * s1, 0.0))
    lane = lax.broadcasted_iota(jnp.int32, (1, 3), 1)
    stds = jnp.where(lane == 0, 1.0, stds)
    w1s = w1_ref[...] / stds

    pn = p_ref[...]
    h = lax.dot_general(pn, w1s, (((1,), (1,)), ((), ())),
                        preferred_element_type=jnp.float32)
    h = jnp.maximum(h + b1_ref[...], 0.0)
    h = lax.dot_general(h, w2_ref[...], (((1,), (1,)), ((), ())),
                        preferred_element_type=jnp.float32)
    h = jnp.maximum(h + b2_ref[...], 0.0)
    raw = lax.dot_general(h, w3_ref[...], (((1,), (1,)), ((), ())),
                          preferred_element_type=jnp.float32)
    raw = raw + b3_ref[...]

    row = i * NB + lax.broadcasted_iota(jnp.int32, (NB, 1), 0)
    valid = row < N
    p0 = jax.nn.sigmoid(raw[:, 0:1])
    p1 = jax.nn.sigmoid(raw[:, 1:2] - 3.0)
    kk = (p0 * 0.25 + 0.005) * (1.0 / 16.0)
    xw = jnp.clip(p1 * 1.2, 0.0, 0.95)
    k_ref[...] = jnp.where(valid, kk, 0.0)
    a_ref[...] = jnp.where(valid, xw, 0.0)
    b_ref[...] = jnp.where(valid, 1.0 - xw, 0.0)


def _coeffs(params_phys, W1, b1, W2, b2, W3, b3):
    stats = _col_stats(params_phys.T)
    out_spec = pl.BlockSpec((NB, 1), lambda i: (i, 0))
    full = lambda *s: pl.BlockSpec(s, lambda i: tuple(0 for _ in s))
    k16, a, b = pl.pallas_call(
        _mlp_body,
        grid=(N_GRID,),
        in_specs=[
            pl.BlockSpec((NB, 3), lambda i: (i, 0)),
            full(HID, 3), full(1, HID), full(HID, HID), full(1, HID),
            full(2, HID), full(1, 2), full(2, 128),
        ],
        out_specs=[out_spec, out_spec, out_spec],
        out_shape=[jax.ShapeDtypeStruct((N_PAD, 1), jnp.float32)] * 3,
    )(params_phys, W1, b1.reshape(1, HID), W2, b2.reshape(1, HID),
      W3, b3.reshape(1, 2), stats)
    return k16.reshape(N_PAD), a.reshape(N_PAD), b.reshape(N_PAD)


def _scan_body(x_hbm, k_hbm, a_hbm, b_hbm, src_hbm, dst_hbm,
               out_hbm, xfer_hbm, iflw_hbm,
               contrib, inflow, k16, av, bv, st, xb, cb, cb2, ib, ib2, zb,
               xsem_a, xsem_b,
               sbuf0, sbuf1, dbuf0, dbuf1, dbuf2, mbuf0, mbuf1,
               sem_s0, sem_s1, sem_d0, sem_d1, sem_d2, sem_g, sem_sc,
               sem_x, sem_o):
    sbuf = (sbuf0, sbuf1)
    dbuf = (dbuf0, dbuf1, dbuf2)
    mbuf = (mbuf0, mbuf1)
    sem_s = (sem_s0, sem_s1)
    sem_d = (sem_d0, sem_d1, sem_d2)
    c = lax.axis_index("c")
    s = lax.axis_index("s")
    w = c * NS + s
    wsib = (1 - c) * NS + s
    nbase = w * NPT
    ebase = w * EPT
    nsl = pl.ds(nbase, NPT)
    ssl = pl.ds(wsib * NPT, NPT)

    pltpu.sync_copy(k_hbm.at[nsl], k16)
    pltpu.sync_copy(a_hbm.at[nsl], av)
    pltpu.sync_copy(b_hbm.at[nsl], bv)

    def zero_i(i, carry):
        z = jnp.zeros((16,), jnp.float32)
        st[pl.ds(i * 16, 16)] = z
        cb[pl.ds(i * 16, 16)] = z
        zb[pl.ds(i * 16, 16)] = z
        ib2[pl.ds(i * 16, 16)] = z
        return carry

    lax.fori_loop(0, NV, zero_i, 0)

    def notify(sem, t):
        @pl.when(t > 0)
        def _():
            pl.semaphore_signal(sem, 1, core_index=1 - c)

    def await_sibling(sem, t):
        @pl.when(t > 0)
        def _():
            pl.semaphore_wait(sem, 1)

    def start_idx(t, i):
        eb = ebase + i * CH
        pltpu.async_copy(src_hbm.at[pl.ds(eb, CH)], sbuf[i % 2],
                         sem_s[i % 2])
        pltpu.async_copy(dst_hbm.at[pl.ds(eb, CH)], dbuf[i % 3],
                         sem_d[i % 3])

    def wait_idx(i):
        eb = pl.ds(0, CH)
        pltpu.make_async_copy(src_hbm.at[eb], sbuf[i % 2],
                              sem_s[i % 2]).wait()
        pltpu.make_async_copy(dst_hbm.at[eb], dbuf[i % 3],
                              sem_d[i % 3]).wait()

    def start_gather(i):
        return pltpu.async_copy(contrib.at[sbuf[i % 2]], mbuf[i % 2],
                                sem_g)

    def start_scatter(i):
        return pltpu.async_copy(mbuf[i % 2], inflow.at[dbuf[i % 3]],
                                sem_sc, add=True)

    def step(t, carry):
        start_idx(t, 0)
        start_idx(t, 1)
        cpx = pltpu.async_copy(x_hbm.at[t, nsl], xb, sem_x)
        pltpu.sync_copy(cb, contrib.at[nsl])
        pltpu.sync_copy(cb, xfer_hbm.at[nsl])
        notify(xsem_a, t)

        pltpu.sync_copy(zb, inflow.at[nsl])
        pltpu.sync_copy(zb, inflow.at[ssl])

        await_sibling(xsem_a, t)

        @pl.when(t > 0)
        def _():
            pltpu.sync_copy(xfer_hbm.at[ssl], cb2)
            pltpu.sync_copy(cb2, contrib.at[ssl])

        @pl.when(t == 0)
        def _():
            pltpu.sync_copy(zb, contrib.at[ssl])

        plsc.subcore_barrier()

        wait_idx(0)
        g = start_gather(0)
        sc = None
        for i in range(NCH):
            g.wait()
            if sc is not None:
                sc.wait()
            sc = start_scatter(i)
            if i + 1 < NCH:
                wait_idx(i + 1)
                g = start_gather(i + 1)
            if i + 2 < NCH:
                start_idx(t, i + 2)
        sc.wait()
        plsc.subcore_barrier()

        pltpu.sync_copy(inflow.at[ssl], ib2)
        pltpu.sync_copy(ib2, iflw_hbm.at[ssl])
        notify(xsem_b, t)

        pltpu.sync_copy(inflow.at[nsl], ib)
        cpx.wait()

        await_sibling(xsem_b, t)

        @pl.when(t > 0)
        def _():
            pltpu.sync_copy(iflw_hbm.at[nsl], ib2)

        @pl.when(t > 0)
        def _():
            pltpu.make_async_copy(st, out_hbm.at[t - 1, nsl], sem_o).wait()

        def update_i(i, c):
            for u in range(4):
                sl = pl.ds((i * 4 + u) * 16, 16)
                xt = xb[sl] * (1.0 / 86400.0)
                ns = av[sl] * st[sl] + bv[sl] * (ib[sl] + ib2[sl] + xt)
                st[sl] = ns
                cb[sl] = ns * k16[sl]
            return c

        lax.fori_loop(0, NV // 4, update_i, 0)
        pltpu.async_copy(st, out_hbm.at[t, nsl], sem_o)
        return carry

    lax.fori_loop(0, T, step, 0)
    pltpu.make_async_copy(st, out_hbm.at[T - 1, nsl], sem_o).wait()


_scan_kernel = functools.partial(
    pl.kernel,
    out_type=[
        jax.ShapeDtypeStruct((T, N_PAD), jnp.float32),
        jax.ShapeDtypeStruct((N_PAD,), jnp.float32),
        jax.ShapeDtypeStruct((N_PAD,), jnp.float32),
    ],
    mesh=plsc.VectorSubcoreMesh(core_axis_name="c", subcore_axis_name="s"),
    scratch_types=[
        pltpu.VMEM_SHARED((N_PAD,), jnp.float32),
        pltpu.VMEM_SHARED((N_PAD,), jnp.float32),
        pltpu.VMEM((NPT,), jnp.float32),
        pltpu.VMEM((NPT,), jnp.float32),
        pltpu.VMEM((NPT,), jnp.float32),
        pltpu.VMEM((NPT,), jnp.float32),
        pltpu.VMEM((NPT,), jnp.float32),
        pltpu.VMEM((NPT,), jnp.float32),
        pltpu.VMEM((NPT,), jnp.float32),
        pltpu.VMEM((NPT,), jnp.float32),
        pltpu.VMEM((NPT,), jnp.float32),
        pltpu.VMEM((NPT,), jnp.float32),
        pltpu.SemaphoreType.REGULAR,
        pltpu.SemaphoreType.REGULAR,
        pltpu.VMEM((CH,), jnp.int32),
        pltpu.VMEM((CH,), jnp.int32),
        pltpu.VMEM((CH,), jnp.int32),
        pltpu.VMEM((CH,), jnp.int32),
        pltpu.VMEM((CH,), jnp.int32),
        pltpu.VMEM((CH,), jnp.float32),
        pltpu.VMEM((CH,), jnp.float32),
        pltpu.SemaphoreType.DMA,
        pltpu.SemaphoreType.DMA,
        pltpu.SemaphoreType.DMA,
        pltpu.SemaphoreType.DMA,
        pltpu.SemaphoreType.DMA,
        pltpu.SemaphoreType.DMA,
        pltpu.SemaphoreType.DMA,
        pltpu.SemaphoreType.DMA,
        pltpu.SemaphoreType.DMA,
    ],
)(_scan_body)


@jax.jit
def kernel(x, params_phys, edge_index, W1, b1, W2, b2, W3, b3):
    k16, a, b = _coeffs(params_phys, W1, b1, W2, b2, W3, b3)
    x_pad = jnp.pad(x, ((0, 0), (0, N_PAD - N)))
    src = jnp.pad(edge_index[0], (0, E_PAD - E), constant_values=N)
    dst = jnp.pad(edge_index[1], (0, E_PAD - E), constant_values=N)
    outs, _, _ = _scan_kernel(x_pad, k16, a, b, src, dst)
    return outs[:, :N]

# --- scband reference (transcript-rebuilt; emitter-appended) ---
"""Pipeline reference for scband-multi-stage-learned-mlp-64982855188720 (READ-ONLY COPY).

The authoritative reference and input builder live on the scoring server;
editing this copy changes nothing except your own understanding.
"""

import jax, jax.numpy as jnp
import numpy as np

N_NODES = 100000
N_EDGES = 1600000
T = 50
HIDDEN = 256


def setup_inputs(seed: int = 0) -> dict:
    key = jax.random.key(seed)
    ks = jax.random.split(key, 9)
    x = jax.random.uniform(ks[0], (T, N_NODES), dtype=jnp.float32)
    params_phys = jax.random.normal(ks[1], (N_NODES, 3), dtype=jnp.float32)
    edge_index = jax.random.randint(ks[2], (2, N_EDGES), 0, N_NODES, dtype=jnp.int32)
    W1 = jax.random.normal(ks[3], (HIDDEN, 3), dtype=jnp.float32) * np.sqrt(2.0 / 3.0)
    b1 = jnp.zeros((HIDDEN,), dtype=jnp.float32)
    W2 = jax.random.normal(ks[4], (HIDDEN, HIDDEN), dtype=jnp.float32) * np.sqrt(2.0 / HIDDEN)
    b2 = jnp.zeros((HIDDEN,), dtype=jnp.float32)
    W3 = jax.random.normal(ks[5], (2, HIDDEN), dtype=jnp.float32) * np.sqrt(2.0 / HIDDEN)
    b3 = jnp.zeros((2,), dtype=jnp.float32)
    return {"x": x, "params_phys": params_phys, "edge_index": edge_index,
            "W1": W1, "b1": b1, "W2": W2, "b2": b2, "W3": W3, "b3": b3}


def _mlp(p, W1, b1, W2, b2, W3, b3):
    # MLP(in_dim=3, out_dim=2, n_layers=3, hidden_dim=256)
    h = jax.nn.relu(p @ W1.T + b1)
    h = jax.nn.relu(h @ W2.T + b2)
    return h @ W3.T + b3


def reference(x, params_phys, edge_index, W1, b1, W2, b2, W3, b3):
    # LearnedRouting: learned per-node Muskingum params from physical properties
    offset = jnp.array([0.005, 0.0], dtype=jnp.float32)
    pre_sigmoid_offset = jnp.array([0.0, 3.0], dtype=jnp.float32)
    prange = jnp.array([0.25, 1.2], dtype=jnp.float32)

    # normalize physical params by per-column std (read_physical_prop)
    stds = jnp.std(params_phys, axis=0, keepdims=True)
    stds = stds.at[0, 0].set(1.0)
    pn = params_phys / stds

    raw = _mlp(pn, W1, b1, W2, b2, W3, b3)
    p = jax.nn.sigmoid(raw - pre_sigmoid_offset) * prange + offset
    k = p[:, 0]          # per-node transfer coefficient
    xw = jnp.clip(p[:, 1], 0.0, 0.95)  # per-node storage/decay coefficient (clipped for LTI stability)

    src = edge_index[0]
    dst = edge_index[1]
    k_src = k[src]

    x_scaled = x / (3600.0 * 24.0)

    def step(state, xt):
        # message passing: route discharge along edges (gather src, scatter-add dst)
        msg = state[src] * k_src
        inflow = jax.ops.segment_sum(msg, dst, num_segments=N_NODES) / 16.0
        new_state = (xw * state + (1.0 - xw) * (inflow + xt)).astype(state.dtype)
        return new_state, new_state

    init = jnp.zeros((N_NODES,), dtype=jnp.float32)
    _, outs = jax.lax.scan(step, init, x_scaled)
    return outs

if __name__ == "__main__":
    import jax
    _d = setup_inputs()
    print(jax.jit(kernel)(*tuple(_d.values())))

</pallas_src>

<mosaic_0001>
#map = affine_map<(d0, d1) -> (0, 0)>
#map1 = affine_map<(d0, d1) -> (0)>
module attributes {stable_mosaic.version = 14 : i64} {
  func.func @_scan_body(%arg0: i32, %arg1: i32, %arg2: memref<50x102400xf32, #tpu.memory_space<hbm>>, %arg3: memref<102400xf32, #tpu.memory_space<hbm>>, %arg4: memref<102400xf32, #tpu.memory_space<hbm>>, %arg5: memref<102400xf32, #tpu.memory_space<hbm>>, %arg6: memref<1605632xi32, #tpu.memory_space<hbm>>, %arg7: memref<1605632xi32, #tpu.memory_space<hbm>>, %arg8: memref<50x102400xf32, #tpu.memory_space<hbm>>, %arg9: memref<102400xf32, #tpu.memory_space<hbm>>, %arg10: memref<102400xf32, #tpu.memory_space<hbm>>, %arg11: memref<102400xf32, #tpu.memory_space<vmem_shared>>, %arg12: memref<102400xf32, #tpu.memory_space<vmem_shared>>, %arg13: memref<3200xf32, #tpu.memory_space<vmem>>, %arg14: memref<3200xf32, #tpu.memory_space<vmem>>, %arg15: memref<3200xf32, #tpu.memory_space<vmem>>, %arg16: memref<3200xf32, #tpu.memory_space<vmem>>, %arg17: memref<3200xf32, #tpu.memory_space<vmem>>, %arg18: memref<3200xf32, #tpu.memory_space<vmem>>, %arg19: memref<3200xf32, #tpu.memory_space<vmem>>, %arg20: memref<3200xf32, #tpu.memory_space<vmem>>, %arg21: memref<3200xf32, #tpu.memory_space<vmem>>, %arg22: memref<3200xf32, #tpu.memory_space<vmem>>, %arg23: memref<!tpu.semaphore, #tpu.memory_space<semaphore_mem>>, %arg24: memref<!tpu.semaphore, #tpu.memory_space<semaphore_mem>>, %arg25: memref<7168xi32, #tpu.memory_space<vmem>>, %arg26: memref<7168xi32, #tpu.memory_space<vmem>>, %arg27: memref<7168xi32, #tpu.memory_space<vmem>>, %arg28: memref<7168xi32, #tpu.memory_space<vmem>>, %arg29: memref<7168xi32, #tpu.memory_space<vmem>>, %arg30: memref<7168xf32, #tpu.memory_space<vmem>>, %arg31: memref<7168xf32, #tpu.memory_space<vmem>>, %arg32: memref<!tpu.dma_semaphore, #tpu.memory_space<semaphore_mem>>, %arg33: memref<!tpu.dma_semaphore, #tpu.memory_space<semaphore_mem>>, %arg34: memref<!tpu.dma_semaphore, #tpu.memory_space<semaphore_mem>>, %arg35: memref<!tpu.dma_semaphore, #tpu.memory_space<semaphore_mem>>, %arg36: memref<!tpu.dma_semaphore, #tpu.memory_space<semaphore_mem>>, %arg37: memref<!tpu.dma_semaphore, #tpu.memory_space<semaphore_mem>>, %arg38: memref<!tpu.dma_semaphore, #tpu.memory_space<semaphore_mem>>, %arg39: memref<!tpu.dma_semaphore, #tpu.memory_space<semaphore_mem>>, %arg40: memref<!tpu.dma_semaphore, #tpu.memory_space<semaphore_mem>>) attributes {dimension_semantics = [#tpu.dimension_semantics<core_parallel>, #tpu.dimension_semantics<subcore_parallel>], iteration_bounds = array<i64: 2, 16>, scalar_prefetch = 0 : i64, scratch_operands = 30 : i64, tpu.core_type = #tpu.core_type<sc_vector_subcore>, window_params = [{transform_indices = #map}, {transform_indices = #map1}, {transform_indices = #map1}, {transform_indices = #map1}, {transform_indices = #map1}, {transform_indices = #map1}, {transform_indices = #map}, {transform_indices = #map1}, {transform_indices = #map1}]} {
    %mul3A = arith.constant 16 : i32
    %mul3A_0 = arith.muli %arg0, %mul3A : i32
    %add3A = arith.addi %mul3A_0, %arg1 : i32
    %sub3A = arith.constant 1 : i32
    %sub3A_1 = arith.subi %sub3A, %arg0 : i32
    %mul3A_2 = arith.constant 16 : i32
    %mul3A_3 = arith.muli %sub3A_1, %mul3A_2 : i32
    %add3A_4 = arith.addi %mul3A_3, %arg1 : i32
    %mul3A_5 = arith.constant 3200 : i32
    %mul3A_6 = arith.muli %add3A, %mul3A_5 : i32
    %mul3A_7 = arith.constant 50176 : i32
    %mul3A_8 = arith.muli %add3A, %mul3A_7 : i32
    %mul3A_9 = arith.constant 3200 : i32
    %mul3A_10 = arith.muli %add3A_4, %mul3A_9 : i32
    "tpu.region"() ({
      %run_scoped3A = tpu.sem_alloc : memref<!tpu.dma_semaphore, #tpu.memory_space<semaphore_mem>>
      %dma_start3A = tpu.memref_slice %arg3[%mul3A_6] : memref<102400xf32, #tpu.memory_space<hbm>> -> memref<3200xf32, #tpu.memory_space<hbm>>
      %dma_start3A_26 = tpu.memref_slice %arg3[%mul3A_6] : memref<102400xf32, #tpu.memory_space<hbm>> -> memref<3200xf32, #tpu.memory_space<hbm>>
      tpu.enqueue_dma source(%dma_start3A_26 : memref<3200xf32, #tpu.memory_space<hbm>>) target(%arg13 : memref<3200xf32, #tpu.memory_space<vmem>>) target_semaphore(%run_scoped3A : memref<!tpu.dma_semaphore, #tpu.memory_space<semaphore_mem>>)
      %dma_wait3A_27 = tpu.memref_slice %arg3[%mul3A_6] : memref<102400xf32, #tpu.memory_space<hbm>> -> memref<3200xf32, #tpu.memory_space<hbm>>
      %dma_wait3A_28 = tpu.memref_slice %arg3[%mul3A_6] : memref<102400xf32, #tpu.memory_space<hbm>> -> memref<3200xf32, #tpu.memory_space<hbm>>
      tpu.wait_dma2 semaphore(%run_scoped3A : memref<!tpu.dma_semaphore, #tpu.memory_space<semaphore_mem>>) src(%dma_wait3A_28 : memref<3200xf32, #tpu.memory_space<hbm>>) dst(%arg13 : memref<3200xf32, #tpu.memory_space<vmem>>)
      tpu.yield
    }) : () -> ()
    "tpu.region"() ({
      %run_scoped3A = tpu.sem_alloc : memref<!tpu.dma_semaphore, #tpu.memory_space<semaphore_mem>>
      %dma_start3A = tpu.memref_slice %arg4[%mul3A_6] : memref<102400xf32, #tpu.memory_space<hbm>> -> memref<3200xf32, #tpu.memory_space<hbm>>
      %dma_start3A_26 = tpu.memref_slice %arg4[%mul3A_6] : memref<102400xf32, #tpu.memory_space<hbm>> -> memref<3200xf32, #tpu.memory_space<hbm>>
      tpu.enqueue_dma source(%dma_start3A_26 : memref<3200xf32, #tpu.memory_space<hbm>>) target(%arg14 : memref<3200xf32, #tpu.memory_space<vmem>>) target_semaphore(%run_scoped3A : memref<!tpu.dma_semaphore, #tpu.memory_space<semaphore_mem>>)
      %dma_wait3A_27 = tpu.memref_slice %arg4[%mul3A_6] : memref<102400xf32, #tpu.memory_space<hbm>> -> memref<3200xf32, #tpu.memory_space<hbm>>
      %dma_wait3A_28 = tpu.memref_slice %arg4[%mul3A_6] : memref<102400xf32, #tpu.memory_space<hbm>> -> memref<3200xf32, #tpu.memory_space<hbm>>
      tpu.wait_dma2 semaphore(%run_scoped3A : memref<!tpu.dma_semaphore, #tpu.memory_space<semaphore_mem>>) src(%dma_wait3A_28 : memref<3200xf32, #tpu.memory_space<hbm>>) dst(%arg14 : memref<3200xf32, #tpu.memory_space<vmem>>)
      tpu.yield
    }) : () -> ()
    "tpu.region"() ({
      %run_scoped3A = tpu.sem_alloc : memref<!tpu.dma_semaphore, #tpu.memory_space<semaphore_mem>>
      %dma_start3A = tpu.memref_slice %arg5[%mul3A_6] : memref<102400xf32, #tpu.memory_space<hbm>> -> memref<3200xf32, #tpu.memory_space<hbm>>
      %dma_start3A_26 = tpu.memref_slice %arg5[%mul3A_6] : memref<102400xf32, #tpu.memory_space<hbm>> -> memref<3200xf32, #tpu.memory_space<hbm>>
      tpu.enqueue_dma source(%dma_start3A_26 : memref<3200xf32, #tpu.memory_space<hbm>>) target(%arg15 : memref<3200xf32, #tpu.memory_space<vmem>>) target_semaphore(%run_scoped3A : memref<!tpu.dma_semaphore, #tpu.memory_space<semaphore_mem>>)
      %dma_wait3A_27 = tpu.memref_slice %arg5[%mul3A_6] : memref<102400xf32, #tpu.memory_space<hbm>> -> memref<3200xf32, #tpu.memory_space<hbm>>
      %dma_wait3A_28 = tpu.memref_slice %arg5[%mul3A_6] : memref<102400xf32, #tpu.memory_space<hbm>> -> memref<3200xf32, #tpu.memory_space<hbm>>
      tpu.wait_dma2 semaphore(%run_scoped3A : memref<!tpu.dma_semaphore, #tpu.memory_space<semaphore_mem>>) src(%dma_wait3A_28 : memref<3200xf32, #tpu.memory_space<hbm>>) dst(%arg15 : memref<3200xf32, #tpu.memory_space<vmem>>)
      tpu.yield
    }) : () -> ()
    %scan3A = arith.constant 0 : i32
    %scan3A_11 = arith.constant 0 : i32
    %scan3A_12 = arith.constant 200 : i32
    %scan3A_13 = arith.addi %scan3A_11, %scan3A_12 : i32
    %scan3A_14 = arith.constant 1 : i32
    scf.for %scan3A_26 = %scan3A_11 to %scan3A_13 step %scan3A_14  : i32 {
      %broadcast_in_dim3A = arith.constant 0.000000e+00 : f32
      %broadcast_in_dim3A_27 = vector.broadcast %broadcast_in_dim3A : f32 to vector<16xf32>
      %mul3A_28 = arith.constant 16 : i32
      %mul3A_29 = arith.muli %scan3A_26, %mul3A_28 : i32
      %swap3A = arith.index_cast %mul3A_29 : i32 to index
      %swap3A_30 = tpu.vector_load %arg16[%swap3A] {strides = array<i32>} : memref<3200xf32, #tpu.memory_space<vmem>>, vector<16xf32>,
      %swap3A_31 = vector.shape_cast %swap3A_30 : vector<16xf32> to vector<16xf32>
      %swap3A_32 = vector.shape_cast %broadcast_in_dim3A_27 : vector<16xf32> to vector<16xf32>
      tpu.vector_store %arg16[%swap3A], %swap3A_32 {strides = array<i32>} : memref<3200xf32, #tpu.memory_space<vmem>>, vector<16xf32>,
      %mul3A_33 = arith.constant 16 : i32
      %mul3A_34 = arith.muli %scan3A_26, %mul3A_33 : i32
      %swap3A_35 = arith.index_cast %mul3A_34 : i32 to index
      %swap3A_36 = tpu.vector_load %arg18[%swap3A_35] {strides = array<i32>} : memref<3200xf32, #tpu.memory_space<vmem>>, vector<16xf32>,
      %swap3A_37 = vector.shape_cast %swap3A_36 : vector<16xf32> to vector<16xf32>
      %swap3A_38 = vector.shape_cast %broadcast_in_dim3A_27 : vector<16xf32> to vector<16xf32>
      tpu.vector_store %arg18[%swap3A_35], %swap3A_38 {strides = array<i32>} : memref<3200xf32, #tpu.memory_space<vmem>>, vector<16xf32>,
      %mul3A_39 = arith.constant 16 : i32
      %mul3A_40 = arith.muli %scan3A_26, %mul3A_39 : i32
      %swap3A_41 = arith.index_cast %mul3A_40 : i32 to index
      %swap3A_42 = tpu.vector_load %arg22[%swap3A_41] {strides = array<i32>} : memref<3200xf32, #tpu.memory_space<vmem>>, vector<16xf32>,
      %swap3A_43 = vector.shape_cast %swap3A_42 : vector<16xf32> to vector<16xf32>
      %swap3A_44 = vector.shape_cast %broadcast_in_dim3A_27 : vector<16xf32> to vector<16xf32>
      tpu.vector_store %arg22[%swap3A_41], %swap3A_44 {strides = array<i32>} : memref<3200xf32, #tpu.memory_space<vmem>>, vector<16xf32>,
      %mul3A_45 = arith.constant 16 : i32
      %mul3A_46 = arith.muli %scan3A_26, %mul3A_45 : i32
      %swap3A_47 = arith.index_cast %mul3A_46 : i32 to index
      %swap3A_48 = tpu.vector_load %arg21[%swap3A_47] {strides = array<i32>} : memref<3200xf32, #tpu.memory_space<vmem>>, vector<16xf32>,
      %swap3A_49 = vector.shape_cast %swap3A_48 : vector<16xf32> to vector<16xf32>
      %swap3A_50 = vector.shape_cast %broadcast_in_dim3A_27 : vector<16xf32> to vector<16xf32>
      tpu.vector_store %arg21[%swap3A_47], %swap3A_50 {strides = array<i32>} : memref<3200xf32, #tpu.memory_space<vmem>>, vector<16xf32>,
    }
    %scan3A_15 = arith.constant 200 : i32
    %scan3A_16 = arith.constant 0 : i32
    %scan3A_17 = arith.constant 0 : i32
    %scan3A_18 = arith.constant 50 : i32
    %scan3A_19 = arith.addi %scan3A_17, %scan3A_18 : i32
    %scan3A_20 = arith.constant 1 : i32
    scf.for %scan3A_26 = %scan3A_17 to %scan3A_19 step %scan3A_20  : i32 {
      %add3A_27 = arith.constant 0 : i32
      %add3A_28 = arith.addi %mul3A_8, %add3A_27 : i32
      %dma_start3A = tpu.memref_slice %arg6[%add3A_28] : memref<1605632xi32, #tpu.memory_space<hbm>> -> memref<7168xi32, #tpu.memory_space<hbm>>
      %dma_start3A_29 = tpu.memref_slice %arg6[%add3A_28] : memref<1605632xi32, #tpu.memory_space<hbm>> -> memref<7168xi32, #tpu.memory_space<hbm>>
      tpu.enqueue_dma source(%dma_start3A_29 : memref<7168xi32, #tpu.memory_space<hbm>>) target(%arg25 : memref<7168xi32, #tpu.memory_space<vmem>>) target_semaphore(%arg32 : memref<!tpu.dma_semaphore, #tpu.memory_space<semaphore_mem>>)
      %dma_start3A_30 = tpu.memref_slice %arg7[%add3A_28] : memref<1605632xi32, #tpu.memory_space<hbm>> -> memref<7168xi32, #tpu.memory_space<hbm>>
      %dma_start3A_31 = tpu.memref_slice %arg7[%add3A_28] : memref<1605632xi32, #tpu.memory_space<hbm>> -> memref<7168xi32, #tpu.memory_space<hbm>>
      tpu.enqueue_dma source(%dma_start3A_31 : memref<7168xi32, #tpu.memory_space<hbm>>) target(%arg27 : memref<7168xi32, #tpu.memory_space<vmem>>) target_semaphore(%arg34 : memref<!tpu.dma_semaphore, #tpu.memory_space<semaphore_mem>>)
      %add3A_32 = arith.constant 7168 : i32
      %add3A_33 = arith.addi %mul3A_8, %add3A_32 : i32
      %dma_start3A_34 = tpu.memref_slice %arg6[%add3A_33] : memref<1605632xi32, #tpu.memory_space<hbm>> -> memref<7168xi32, #tpu.memory_space<hbm>>
      %dma_start3A_35 = tpu.memref_slice %arg6[%add3A_33] : memref<1605632xi32, #tpu.memory_space<hbm>> -> memref<7168xi32, #tpu.memory_space<hbm>>
      tpu.enqueue_dma source(%dma_start3A_35 : memref<7168xi32, #tpu.memory_space<hbm>>) target(%arg26 : memref<7168xi32, #tpu.memory_space<vmem>>) target_semaphore(%arg33 : memref<!tpu.dma_semaphore, #tpu.memory_space<semaphore_mem>>)
      %dma_start3A_36 = tpu.memref_slice %arg7[%add3A_33] : memref<1605632xi32, #tpu.memory_space<hbm>> -> memref<7168xi32, #tpu.memory_space<hbm>>
      %dma_start3A_37 = tpu.memref_slice %arg7[%add3A_33] : memref<1605632xi32, #tpu.memory_space<hbm>> -> memref<7168xi32, #tpu.memory_space<hbm>>
      tpu.enqueue_dma source(%dma_start3A_37 : memref<7168xi32, #tpu.memory_space<hbm>>) target(%arg28 : memref<7168xi32, #tpu.memory_space<vmem>>) target_semaphore(%arg35 : memref<!tpu.dma_semaphore, #tpu.memory_space<semaphore_mem>>)
      %dma_start3A_38 = tpu.memref_slice %arg2[%scan3A_26, %mul3A_6] : memref<50x102400xf32, #tpu.memory_space<hbm>> -> memref<1x3200xf32, #tpu.memory_space<hbm>>
      %dma_start3A_39 = tpu.memref_squeeze %dma_start3A_38 : memref<1x3200xf32, #tpu.memory_space<hbm>> -> memref<3200xf32, #tpu.memory_space<hbm>>
      %dma_start3A_40 = tpu.memref_slice %arg2[%scan3A_26, %mul3A_6] : memref<50x102400xf32, #tpu.memory_space<hbm>> -> memref<1x3200xf32, #tpu.memory_space<hbm>>
      %dma_start3A_41 = tpu.memref_squeeze %dma_start3A_40 : memref<1x3200xf32, #tpu.memory_space<hbm>> -> memref<3200xf32, #tpu.memory_space<hbm>>
      tpu.enqueue_dma source(%dma_start3A_41 : memref<3200xf32, #tpu.memory_space<hbm>>) target(%arg17 : memref<3200xf32, #tpu.memory_space<vmem>>) target_semaphore(%arg39 : memref<!tpu.dma_semaphore, #tpu.memory_space<semaphore_mem>>)
      "tpu.region"() ({
        %run_scoped3A = tpu.sem_alloc : memref<!tpu.dma_semaphore, #tpu.memory_space<semaphore_mem>>
        %dma_start3A_235 = tpu.memref_slice %arg11[%mul3A_6] : memref<102400xf32, #tpu.memory_space<vmem_shared>> -> memref<3200xf32, #tpu.memory_space<vmem_shared>>
        %dma_start3A_236 = tpu.memref_slice %arg11[%mul3A_6] : memref<102400xf32, #tpu.memory_space<vmem_shared>> -> memref<3200xf32, #tpu.memory_space<vmem_shared>>
        tpu.enqueue_dma source(%arg18 : memref<3200xf32, #tpu.memory_space<vmem>>) target(%dma_start3A_236 : memref<3200xf32, #tpu.memory_space<vmem_shared>>) target_semaphore(%run_scoped3A : memref<!tpu.dma_semaphore, #tpu.memory_space<semaphore_mem>>)
        %dma_wait3A_237 = tpu.memref_slice %arg11[%mul3A_6] : memref<102400xf32, #tpu.memory_space<vmem_shared>> -> memref<3200xf32, #tpu.memory_space<vmem_shared>>
        %dma_wait3A_238 = tpu.memref_slice %arg11[%mul3A_6] : memref<102400xf32, #tpu.memory_space<vmem_shared>> -> memref<3200xf32, #tpu.memory_space<vmem_shared>>
        tpu.wait_dma2 semaphore(%run_scoped3A : memref<!tpu.dma_semaphore, #tpu.memory_space<semaphore_mem>>) src(%arg18 : memref<3200xf32, #tpu.memory_space<vmem>>) dst(%dma_wait3A_238 : memref<3200xf32, #tpu.memory_space<vmem_shared>>)
        tpu.yield
      }) : () -> ()
      "tpu.region"() ({
        %run_scoped3A = tpu.sem_alloc : memref<!tpu.dma_semaphore, #tpu.memory_space<semaphore_mem>>
        %dma_start3A_235 = tpu.memref_slice %arg9[%mul3A_6] : memref<102400xf32, #tpu.memory_space<hbm>> -> memref<3200xf32, #tpu.memory_space<hbm>>
        %dma_start3A_236 = tpu.memref_slice %arg9[%mul3A_6] : memref<102400xf32, #tpu.memory_space<hbm>> -> memref<3200xf32, #tpu.memory_space<hbm>>
        tpu.enqueue_dma source(%arg18 : memref<3200xf32, #tpu.memory_space<vmem>>) target(%dma_start3A_236 : memref<3200xf32, #tpu.memory_space<hbm>>) target_semaphore(%run_scoped3A : memref<!tpu.dma_semaphore, #tpu.memory_space<semaphore_mem>>)
        %dma_wait3A_237 = tpu.memref_slice %arg9[%mul3A_6] : memref<102400xf32, #tpu.memory_space<hbm>> -> memref<3200xf32, #tpu.memory_space<hbm>>
        %dma_wait3A_238 = tpu.memref_slice %arg9[%mul3A_6] : memref<102400xf32, #tpu.memory_space<hbm>> -> memref<3200xf32, #tpu.memory_space<hbm>>
        tpu.wait_dma2 semaphore(%run_scoped3A : memref<!tpu.dma_semaphore, #tpu.memory_space<semaphore_mem>>) src(%arg18 : memref<3200xf32, #tpu.memory_space<vmem>>) dst(%dma_wait3A_238 : memref<3200xf32, #tpu.memory_space<hbm>>)
        tpu.yield
      }) : () -> ()
      %gt3A = arith.constant 0 : i32
      %gt3A_42 = arith.cmpi sgt, %scan3A_26, %gt3A : i32
      %convert_element_type3A = arith.extui %gt3A_42 : i1 to i32
      %cond3A = arith.constant 0 : i32
      %cond3A_43 = arith.cmpi ne, %convert_element_type3A, %cond3A : i32
      scf.if %cond3A_43 {
        %sub3A_235 = arith.constant 1 : i32
        %sub3A_236 = arith.subi %sub3A_235, %arg0 : i32
        %semaphore_signal3A = arith.constant 1 : i32
        tpu.sem_signal %arg23, %semaphore_signal3A core_id %sub3A_236 : memref<!tpu.semaphore, #tpu.memory_space<semaphore_mem>>
      } else {
      }
      "tpu.region"() ({
        %run_scoped3A = tpu.sem_alloc : memref<!tpu.dma_semaphore, #tpu.memory_space<semaphore_mem>>
        %dma_start3A_235 = tpu.memref_slice %arg12[%mul3A_6] : memref<102400xf32, #tpu.memory_space<vmem_shared>> -> memref<3200xf32, #tpu.memory_space<vmem_shared>>
        %dma_start3A_236 = tpu.memref_slice %arg12[%mul3A_6] : memref<102400xf32, #tpu.memory_space<vmem_shared>> -> memref<3200xf32, #tpu.memory_space<vmem_shared>>
        tpu.enqueue_dma source(%arg22 : memref<3200xf32, #tpu.memory_space<vmem>>) target(%dma_start3A_236 : memref<3200xf32, #tpu.memory_space<vmem_shared>>) target_semaphore(%run_scoped3A : memref<!tpu.dma_semaphore, #tpu.memory_space<semaphore_mem>>)
        %dma_wait3A_237 = tpu.memref_slice %arg12[%mul3A_6] : memref<102400xf32, #tpu.memory_space<vmem_shared>> -> memref<3200xf32, #tpu.memory_space<vmem_shared>>
        %dma_wait3A_238 = tpu.memref_slice %arg12[%mul3A_6] : memref<102400xf32, #tpu.memory_space<vmem_shared>> -> memref<3200xf32, #tpu.memory_space<vmem_shared>>
        tpu.wait_dma2 semaphore(%run_scoped3A : memref<!tpu.dma_semaphore, #tpu.memory_space<semaphore_mem>>) src(%arg22 : memref<3200xf32, #tpu.memory_space<vmem>>) dst(%dma_wait3A_238 : memref<3200xf32, #tpu.memory_space<vmem_shared>>)
        tpu.yield
      }) : () -> ()
      "tpu.region"() ({
        %run_scoped3A = tpu.sem_alloc : memref<!tpu.dma_semaphore, #tpu.memory_space<semaphore_mem>>
        %dma_start3A_235 = tpu.memref_slice %arg12[%mul3A_10] : memref<102400xf32, #tpu.memory_space<vmem_shared>> -> memref<3200xf32, #tpu.memory_space<vmem_shared>>
        %dma_start3A_236 = tpu.memref_slice %arg12[%mul3A_10] : memref<102400xf32, #tpu.memory_space<vmem_shared>> -> memref<3200xf32, #tpu.memory_space<vmem_shared>>
        tpu.enqueue_dma source(%arg22 : memref<3200xf32, #tpu.memory_space<vmem>>) target(%dma_start3A_236 : memref<3200xf32, #tpu.memory_space<vmem_shared>>) target_semaphore(%run_scoped3A : memref<!tpu.dma_semaphore, #tpu.memory_space<semaphore_mem>>)
        %dma_wait3A_237 = tpu.memref_slice %arg12[%mul3A_10] : memref<102400xf32, #tpu.memory_space<vmem_shared>> -> memref<3200xf32, #tpu.memory_space<vmem_shared>>
        %dma_wait3A_238 = tpu.memref_slice %arg12[%mul3A_10] : memref<102400xf32, #tpu.memory_space<vmem_shared>> -> memref<3200xf32, #tpu.memory_space<vmem_shared>>
        tpu.wait_dma2 semaphore(%run_scoped3A : memref<!tpu.dma_semaphore, #tpu.memory_space<semaphore_mem>>) src(%arg22 : memref<3200xf32, #tpu.memory_space<vmem>>) dst(%dma_wait3A_238 : memref<3200xf32, #tpu.memory_space<vmem_shared>>)
        tpu.yield
      }) : () -> ()
      %gt3A_44 = arith.constant 0 : i32
      %gt3A_45 = arith.cmpi sgt, %scan3A_26, %gt3A_44 : i32
      %convert_element_type3A_46 = arith.extui %gt3A_45 : i1 to i32
      %cond3A_47 = arith.constant 0 : i32
      %cond3A_48 = arith.cmpi ne, %convert_element_type3A_46, %cond3A_47 : i32
      scf.if %cond3A_48 {
        %semaphore_wait3A = arith.constant 1 : i32
        %semaphore_wait3A_235 = arith.constant true
        tpu.sem_wait %arg23, %semaphore_wait3A : memref<!tpu.semaphore, #tpu.memory_space<semaphore_mem>>
      } else {
      }
      %gt3A_49 = arith.constant 0 : i32
      %gt3A_50 = arith.cmpi sgt, %scan3A_26, %gt3A_49 : i32
      %convert_element_type3A_51 = arith.extui %gt3A_50 : i1 to i32
      %cond3A_52 = arith.constant 0 : i32
      %cond3A_53 = arith.cmpi ne, %convert_element_type3A_51, %cond3A_52 : i32
      scf.if %cond3A_53 {
        "tpu.region"() ({
          %run_scoped3A = tpu.sem_alloc : memref<!tpu.dma_semaphore, #tpu.memory_space<semaphore_mem>>
          %dma_start3A_235 = tpu.memref_slice %arg9[%mul3A_10] : memref<102400xf32, #tpu.memory_space<hbm>> -> memref<3200xf32, #tpu.memory_space<hbm>>
          %dma_start3A_236 = tpu.memref_slice %arg9[%mul3A_10] : memref<102400xf32, #tpu.memory_space<hbm>> -> memref<3200xf32, #tpu.memory_space<hbm>>
          tpu.enqueue_dma source(%dma_start3A_236 : memref<3200xf32, #tpu.memory_space<hbm>>) target(%arg19 : memref<3200xf32, #tpu.memory_space<vmem>>) target_semaphore(%run_scoped3A : memref<!tpu.dma_semaphore, #tpu.memory_space<semaphore_mem>>)
          %dma_wait3A_237 = tpu.memref_slice %arg9[%mul3A_10] : memref<102400xf32, #tpu.memory_space<hbm>> -> memref<3200xf32, #tpu.memory_space<hbm>>
          %dma_wait3A_238 = tpu.memref_slice %arg9[%mul3A_10] : memref<102400xf32, #tpu.memory_space<hbm>> -> memref<3200xf32, #tpu.memory_space<hbm>>
          tpu.wait_dma2 semaphore(%run_scoped3A : memref<!tpu.dma_semaphore, #tpu.memory_space<semaphore_mem>>) src(%dma_wait3A_238 : memref<3200xf32, #tpu.memory_space<hbm>>) dst(%arg19 : memref<3200xf32, #tpu.memory_space<vmem>>)
          tpu.yield
        }) : () -> ()
        "tpu.region"() ({
          %run_scoped3A = tpu.sem_alloc : memref<!tpu.dma_semaphore, #tpu.memory_space<semaphore_mem>>
          %dma_start3A_235 = tpu.memref_slice %arg11[%mul3A_10] : memref<102400xf32, #tpu.memory_space<vmem_shared>> -> memref<3200xf32, #tpu.memory_space<vmem_shared>>
          %dma_start3A_236 = tpu.memref_slice %arg11[%mul3A_10] : memref<102400xf32, #tpu.memory_space<vmem_shared>> -> memref<3200xf32, #tpu.memory_space<vmem_shared>>
          tpu.enqueue_dma source(%arg19 : memref<3200xf32, #tpu.memory_space<vmem>>) target(%dma_start3A_236 : memref<3200xf32, #tpu.memory_space<vmem_shared>>) target_semaphore(%run_scoped3A : memref<!tpu.dma_semaphore, #tpu.memory_space<semaphore_mem>>)
          %dma_wait3A_237 = tpu.memref_slice %arg11[%mul3A_10] : memref<102400xf32, #tpu.memory_space<vmem_shared>> -> memref<3200xf32, #tpu.memory_space<vmem_shared>>
          %dma_wait3A_238 = tpu.memref_slice %arg11[%mul3A_10] : memref<102400xf32, #tpu.memory_space<vmem_shared>> -> memref<3200xf32, #tpu.memory_space<vmem_shared>>
          tpu.wait_dma2 semaphore(%run_scoped3A : memref<!tpu.dma_semaphore, #tpu.memory_space<semaphore_mem>>) src(%arg19 : memref<3200xf32, #tpu.memory_space<vmem>>) dst(%dma_wait3A_238 : memref<3200xf32, #tpu.memory_space<vmem_shared>>)
          tpu.yield
        }) : () -> ()
      } else {
      }
      %eq3A = arith.constant 0 : i32
      %eq3A_54 = arith.cmpi eq, %scan3A_26, %eq3A : i32
      %convert_element_type3A_55 = arith.extui %eq3A_54 : i1 to i32
      %cond3A_56 = arith.constant 0 : i32
      %cond3A_57 = arith.cmpi ne, %convert_element_type3A_55, %cond3A_56 : i32
      scf.if %cond3A_57 {
        "tpu.region"() ({
          %run_scoped3A = tpu.sem_alloc : memref<!tpu.dma_semaphore, #tpu.memory_space<semaphore_mem>>
          %dma_start3A_235 = tpu.memref_slice %arg11[%mul3A_10] : memref<102400xf32, #tpu.memory_space<vmem_shared>> -> memref<3200xf32, #tpu.memory_space<vmem_shared>>
          %dma_start3A_236 = tpu.memref_slice %arg11[%mul3A_10] : memref<102400xf32, #tpu.memory_space<vmem_shared>> -> memref<3200xf32, #tpu.memory_space<vmem_shared>>
          tpu.enqueue_dma source(%arg22 : memref<3200xf32, #tpu.memory_space<vmem>>) target(%dma_start3A_236 : memref<3200xf32, #tpu.memory_space<vmem_shared>>) target_semaphore(%run_scoped3A : memref<!tpu.dma_semaphore, #tpu.memory_space<semaphore_mem>>)
          %dma_wait3A_237 = tpu.memref_slice %arg11[%mul3A_10] : memref<102400xf32, #tpu.memory_space<vmem_shared>> -> memref<3200xf32, #tpu.memory_space<vmem_shared>>
          %dma_wait3A_238 = tpu.memref_slice %arg11[%mul3A_10] : memref<102400xf32, #tpu.memory_space<vmem_shared>> -> memref<3200xf32, #tpu.memory_space<vmem_shared>>
          tpu.wait_dma2 semaphore(%run_scoped3A : memref<!tpu.dma_semaphore, #tpu.memory_space<semaphore_mem>>) src(%arg22 : memref<3200xf32, #tpu.memory_space<vmem>>) dst(%dma_wait3A_238 : memref<3200xf32, #tpu.memory_space<vmem_shared>>)
          tpu.yield
        }) : () -> ()
      } else {
      }
      %barrier3A = arith.constant 0 : index
      tpu.barrier barrier_id(%barrier3A)
      %dma_wait3A_58 = arith.constant 0 : i32
      %dma_wait3A_59 = tpu.memref_slice %arg6[%dma_wait3A_58] : memref<1605632xi32, #tpu.memory_space<hbm>> -> memref<7168xi32, #tpu.memory_space<hbm>>
      %dma_wait3A_60 = arith.constant 0 : i32
      %dma_wait3A_61 = tpu.memref_slice %arg6[%dma_wait3A_60] : memref<1605632xi32, #tpu.memory_space<hbm>> -> memref<7168xi32, #tpu.memory_space<hbm>>
      tpu.wait_dma2 semaphore(%arg32 : memref<!tpu.dma_semaphore, #tpu.memory_space<semaphore_mem>>) src(%dma_wait3A_61 : memref<7168xi32, #tpu.memory_space<hbm>>) dst(%arg25 : memref<7168xi32, #tpu.memory_space<vmem>>)
      %dma_wait3A_62 = arith.constant 0 : i32
      %dma_wait3A_63 = tpu.memref_slice %arg7[%dma_wait3A_62] : memref<1605632xi32, #tpu.memory_space<hbm>> -> memref<7168xi32, #tpu.memory_space<hbm>>
      %dma_wait3A_64 = arith.constant 0 : i32
      %dma_wait3A_65 = tpu.memref_slice %arg7[%dma_wait3A_64] : memref<1605632xi32, #tpu.memory_space<hbm>> -> memref<7168xi32, #tpu.memory_space<hbm>>
      tpu.wait_dma2 semaphore(%arg34 : memref<!tpu.dma_semaphore, #tpu.memory_space<semaphore_mem>>) src(%dma_wait3A_65 : memref<7168xi32, #tpu.memory_space<hbm>>) dst(%arg27 : memref<7168xi32, #tpu.memory_space<vmem>>)
      %dma_start3A_66 = arith.constant 0 : i32
      %dma_start3A_67 = tpu.memref_slice %arg11[%dma_start3A_66] : memref<102400xf32, #tpu.memory_space<vmem_shared>> -> memref<102400xf32, #tpu.memory_space<vmem_shared>>
      tpu.enqueue_indirect_dma source(%dma_start3A_67 : memref<102400xf32, #tpu.memory_space<vmem_shared>>) target(%arg30 : memref<7168xf32, #tpu.memory_space<vmem>>) offsets(%arg25 : memref<7168xi32, #tpu.memory_space<vmem>>) semaphore(%arg37 : memref<!tpu.dma_semaphore, #tpu.memory_space<semaphore_mem>>)
      %dma_wait3A_68 = arith.constant 0 : i32
      %dma_wait3A_69 = tpu.memref_slice %arg11[%dma_wait3A_68] : memref<102400xf32, #tpu.memory_space<vmem_shared>> -> memref<102400xf32, #tpu.memory_space<vmem_shared>>
      tpu.wait_indirect_dma semaphore(%arg37 : memref<!tpu.dma_semaphore, #tpu.memory_space<semaphore_mem>>) src(%dma_wait3A_69 : memref<102400xf32, #tpu.memory_space<vmem_shared>>) dst(%arg30 : memref<7168xf32, #tpu.memory_space<vmem>>)
      %dma_start3A_70 = arith.constant 0 : i32
      %dma_start3A_71 = tpu.memref_slice %arg12[%dma_start3A_70] : memref<102400xf32, #tpu.memory_space<vmem_shared>> -> memref<102400xf32, #tpu.memory_space<vmem_shared>>
      tpu.enqueue_indirect_dma source(%arg30 : memref<7168xf32, #tpu.memory_space<vmem>>) target(%dma_start3A_71 : memref<102400xf32, #tpu.memory_space<vmem_shared>>) offsets(%arg27 : memref<7168xi32, #tpu.memory_space<vmem>>) semaphore(%arg38 : memref<!tpu.dma_semaphore, #tpu.memory_space<semaphore_mem>>) {add = true}
      %dma_wait3A_72 = arith.constant 0 : i32
      %dma_wait3A_73 = tpu.memref_slice %arg6[%dma_wait3A_72] : memref<1605632xi32, #tpu.memory_space<hbm>> -> memref<7168xi32, #tpu.memory_space<hbm>>
      %dma_wait3A_74 = arith.constant 0 : i32
      %dma_wait3A_75 = tpu.memref_slice %arg6[%dma_wait3A_74] : memref<1605632xi32, #tpu.memory_space<hbm>> -> memref<7168xi32, #tpu.memory_space<hbm>>
      tpu.wait_dma2 semaphore(%arg33 : memref<!tpu.dma_semaphore, #tpu.memory_space<semaphore_mem>>) src(%dma_wait3A_75 : memref<7168xi32, #tpu.memory_space<hbm>>) dst(%arg26 : memref<7168xi32, #tpu.memory_space<vmem>>)
      %dma_wait3A_76 = arith.constant 0 : i32
      %dma_wait3A_77 = tpu.memref_slice %arg7[%dma_wait3A_76] : memref<1605632xi32, #tpu.memory_space<hbm>> -> memref<7168xi32, #tpu.memory_space<hbm>>
      %dma_wait3A_78 = arith.constant 0 : i32
      %dma_wait3A_79 = tpu.memref_slice %arg7[%dma_wait3A_78] : memref<1605632xi32, #tpu.memory_space<hbm>> -> memref<7168xi32, #tpu.memory_space<hbm>>
      tpu.wait_dma2 semaphore(%arg35 : memref<!tpu.dma_semaphore, #tpu.memory_space<semaphore_mem>>) src(%dma_wait3A_79 : memref<7168xi32, #tpu.memory_space<hbm>>) dst(%arg28 : memref<7168xi32, #tpu.memory_space<vmem>>)
      %dma_start3A_80 = arith.constant 0 : i32
      %dma_start3A_81 = tpu.memref_slice %arg11[%dma_start3A_80] : memref<102400xf32, #tpu.memory_space<vmem_shared>> -> memref<102400xf32, #tpu.memory_space<vmem_shared>>
      tpu.enqueue_indirect_dma source(%dma_start3A_81 : memref<102400xf32, #tpu.memory_space<vmem_shared>>) target(%arg31 : memref<7168xf32, #tpu.memory_space<vmem>>) offsets(%arg26 : memref<7168xi32, #tpu.memory_space<vmem>>) semaphore(%arg37 : memref<!tpu.dma_semaphore, #tpu.memory_space<semaphore_mem>>)
      %add3A_82 = arith.constant 14336 : i32
      %add3A_83 = arith.addi %mul3A_8, %add3A_82 : i32
      %dma_start3A_84 = tpu.memref_slice %arg6[%add3A_83] : memref<1605632xi32, #tpu.memory_space<hbm>> -> memref<7168xi32, #tpu.memory_space<hbm>>
      %dma_start3A_85 = tpu.memref_slice %arg6[%add3A_83] : memref<1605632xi32, #tpu.memory_space<hbm>> -> memref<7168xi32, #tpu.memory_space<hbm>>
      tpu.enqueue_dma source(%dma_start3A_85 : memref<7168xi32, #tpu.memory_space<hbm>>) target(%arg25 : memref<7168xi32, #tpu.memory_space<vmem>>) target_semaphore(%arg32 : memref<!tpu.dma_semaphore, #tpu.memory_space<semaphore_mem>>)
      %dma_start3A_86 = tpu.memref_slice %arg7[%add3A_83] : memref<1605632xi32, #tpu.memory_space<hbm>> -> memref<7168xi32, #tpu.memory_space<hbm>>
      %dma_start3A_87 = tpu.memref_slice %arg7[%add3A_83] : memref<1605632xi32, #tpu.memory_space<hbm>> -> memref<7168xi32, #tpu.memory_space<hbm>>
      tpu.enqueue_dma source(%dma_start3A_87 : memref<7168xi32, #tpu.memory_space<hbm>>) target(%arg29 : memref<7168xi32, #tpu.memory_space<vmem>>) target_semaphore(%arg36 : memref<!tpu.dma_semaphore, #tpu.memory_space<semaphore_mem>>)
      %dma_wait3A_88 = arith.constant 0 : i32
      %dma_wait3A_89 = tpu.memref_slice %arg11[%dma_wait3A_88] : memref<102400xf32, #tpu.memory_space<vmem_shared>> -> memref<102400xf32, #tpu.memory_space<vmem_shared>>
      tpu.wait_indirect_dma semaphore(%arg37 : memref<!tpu.dma_semaphore, #tpu.memory_space<semaphore_mem>>) src(%dma_wait3A_89 : memref<102400xf32, #tpu.memory_space<vmem_shared>>) dst(%arg31 : memref<7168xf32, #tpu.memory_space<vmem>>)
      %dma_wait3A_90 = arith.constant 0 : i32
      %dma_wait3A_91 = tpu.memref_slice %arg12[%dma_wait3A_90] : memref<102400xf32, #tpu.memory_space<vmem_shared>> -> memref<102400xf32, #tpu.memory_space<vmem_shared>>
      tpu.wait_indirect_dma semaphore(%arg38 : memref<!tpu.dma_semaphore, #tpu.memory_space<semaphore_mem>>) src(%arg30 : memref<7168xf32, #tpu.memory_space<vmem>>) dst(%dma_wait3A_91 : memref<102400xf32, #tpu.memory_space<vmem_shared>>)
      %dma_start3A_92 = arith.constant 0 : i32
      %dma_start3A_93 = tpu.memref_slice %arg12[%dma_start3A_92] : memref<102400xf32, #tpu.memory_space<vmem_shared>> -> memref<102400xf32, #tpu.memory_space<vmem_shared>>
      tpu.enqueue_indirect_dma source(%arg31 : memref<7168xf32, #tpu.memory_space<vmem>>) target(%dma_start3A_93 : memref<102400xf32, #tpu.memory_space<vmem_shared>>) offsets(%arg28 : memref<7168xi32, #tpu.memory_space<vmem>>) semaphore(%arg38 : memref<!tpu.dma_semaphore, #tpu.memory_space<semaphore_mem>>) {add = true}
      %dma_wait3A_94 = arith.constant 0 : i32
      %dma_wait3A_95 = tpu.memref_slice %arg6[%dma_wait3A_94] : memref<1605632xi32, #tpu.memory_space<hbm>> -> memref<7168xi32, #tpu.memory_space<hbm>>
      %dma_wait3A_96 = arith.constant 0 : i32
      %dma_wait3A_97 = tpu.memref_slice %arg6[%dma_wait3A_96] : memref<1605632xi32, #tpu.memory_space<hbm>> -> memref<7168xi32, #tpu.memory_space<hbm>>
      tpu.wait_dma2 semaphore(%arg32 : memref<!tpu.dma_semaphore, #tpu.memory_space<semaphore_mem>>) src(%dma_wait3A_97 : memref<7168xi32, #tpu.memory_space<hbm>>) dst(%arg25 : memref<7168xi32, #tpu.memory_space<vmem>>)
      %dma_wait3A_98 = arith.constant 0 : i32
      %dma_wait3A_99 = tpu.memref_slice %arg7[%dma_wait3A_98] : memref<1605632xi32, #tpu.memory_space<hbm>> -> memref<7168xi32, #tpu.memory_space<hbm>>
      %dma_wait3A_100 = arith.constant 0 : i32
      %dma_wait3A_101 = tpu.memref_slice %arg7[%dma_wait3A_100] : memref<1605632xi32, #tpu.memory_space<hbm>> -> memref<7168xi32, #tpu.memory_space<hbm>>
      tpu.wait_dma2 semaphore(%arg36 : memref<!tpu.dma_semaphore, #tpu.memory_space<semaphore_mem>>) src(%dma_wait3A_101 : memref<7168xi32, #tpu.memory_space<hbm>>) dst(%arg29 : memref<7168xi32, #tpu.memory_space<vmem>>)
      %dma_start3A_102 = arith.constant 0 : i32
      %dma_start3A_103 = tpu.memref_slice %arg11[%dma_start3A_102] : memref<102400xf32, #tpu.memory_space<vmem_shared>> -> memref<102400xf32, #tpu.memory_space<vmem_shared>>
      tpu.enqueue_indirect_dma source(%dma_start3A_103 : memref<102400xf32, #tpu.memory_space<vmem_shared>>) target(%arg30 : memref<7168xf32, #tpu.memory_space<vmem>>) offsets(%arg25 : memref<7168xi32, #tpu.memory_space<vmem>>) semaphore(%arg37 : memref<!tpu.dma_semaphore, #tpu.memory_space<semaphore_mem>>)
      %add3A_104 = arith.constant 21504 : i32
      %add3A_105 = arith.addi %mul3A_8, %add3A_104 : i32
      %dma_start3A_106 = tpu.memref_slice %arg6[%add3A_105] : memref<1605632xi32, #tpu.memory_space<hbm>> -> memref<7168xi32, #tpu.memory_space<hbm>>
      %dma_start3A_107 = tpu.memref_slice %arg6[%add3A_105] : memref<1605632xi32, #tpu.memory_space<hbm>> -> memref<7168xi32, #tpu.memory_space<hbm>>
      tpu.enqueue_dma source(%dma_start3A_107 : memref<7168xi32, #tpu.memory_space<hbm>>) target(%arg26 : memref<7168xi32, #tpu.memory_space<vmem>>) target_semaphore(%arg33 : memref<!tpu.dma_semaphore, #tpu.memory_space<semaphore_mem>>)
      %dma_start3A_108 = tpu.memref_slice %arg7[%add3A_105] : memref<1605632xi32, #tpu.memory_space<hbm>> -> memref<7168xi32, #tpu.memory_space<hbm>>
      %dma_start3A_109 = tpu.memref_slice %arg7[%add3A_105] : memref<1605632xi32, #tpu.memory_space<hbm>> -> memref<7168xi32, #tpu.memory_space<hbm>>
      tpu.enqueue_dma source(%dma_start3A_109 : memref<7168xi32, #tpu.memory_space<hbm>>) target(%arg27 : memref<7168xi32, #tpu.memory_space<vmem>>) target_semaphore(%arg34 : memref<!tpu.dma_semaphore, #tpu.memory_space<semaphore_mem>>)
      %dma_wait3A_110 = arith.constant 0 : i32
      %dma_wait3A_111 = tpu.memref_slice %arg11[%dma_wait3A_110] : memref<102400xf32, #tpu.memory_space<vmem_shared>> -> memref<102400xf32, #tpu.memory_space<vmem_shared>>
      tpu.wait_indirect_dma semaphore(%arg37 : memref<!tpu.dma_semaphore, #tpu.memory_space<semaphore_mem>>) src(%dma_wait3A_111 : memref<102400xf32, #tpu.memory_space<vmem_shared>>) dst(%arg30 : memref<7168xf32, #tpu.memory_space<vmem>>)
      %dma_wait3A_112 = arith.constant 0 : i32
      %dma_wait3A_113 = tpu.memref_slice %arg12[%dma_wait3A_112] : memref<102400xf32, #tpu.memory_space<vmem_shared>> -> memref<102400xf32, #tpu.memory_space<vmem_shared>>
      tpu.wait_indirect_dma semaphore(%arg38 : memref<!tpu.dma_semaphore, #tpu.memory_space<semaphore_mem>>) src(%arg31 : memref<7168xf32, #tpu.memory_space<vmem>>) dst(%dma_wait3A_113 : memref<102400xf32, #tpu.memory_space<vmem_shared>>)
      %dma_start3A_114 = arith.constant 0 : i32
      %dma_start3A_115 = tpu.memref_slice %arg12[%dma_start3A_114] : memref<102400xf32, #tpu.memory_space<vmem_shared>> -> memref<102400xf32, #tpu.memory_space<vmem_shared>>
      tpu.enqueue_indirect_dma source(%arg30 : memref<7168xf32, #tpu.memory_space<vmem>>) target(%dma_start3A_115 : memref<102400xf32, #tpu.memory_space<vmem_shared>>) offsets(%arg29 : memref<7168xi32, #tpu.memory_space<vmem>>) semaphore(%arg38 : memref<!tpu.dma_semaphore, #tpu.memory_space<semaphore_mem>>) {add = true}
      %dma_wait3A_116 = arith.constant 0 : i32
      %dma_wait3A_117 = tpu.memref_slice %arg6[%dma_wait3A_116] : memref<1605632xi32, #tpu.memory_space<hbm>> -> memref<7168xi32, #tpu.memory_space<hbm>>
      %dma_wait3A_118 = arith.constant 0 : i32
      %dma_wait3A_119 = tpu.memref_slice %arg6[%dma_wait3A_118] : memref<1605632xi32, #tpu.memory_space<hbm>> -> memref<7168xi32, #tpu.memory_space<hbm>>
      tpu.wait_dma2 semaphore(%arg33 : memref<!tpu.dma_semaphore, #tpu.memory_space<semaphore_mem>>) src(%dma_wait3A_119 : memref<7168xi32, #tpu.memory_space<hbm>>) dst(%arg26 : memref<7168xi32, #tpu.memory_space<vmem>>)
      %dma_wait3A_120 = arith.constant 0 : i32
      %dma_wait3A_121 = tpu.memref_slice %arg7[%dma_wait3A_120] : memref<1605632xi32, #tpu.memory_space<hbm>> -> memref<7168xi32, #tpu.memory_space<hbm>>
      %dma_wait3A_122 = arith.constant 0 : i32
      %dma_wait3A_123 = tpu.memref_slice %arg7[%dma_wait3A_122] : memref<1605632xi32, #tpu.memory_space<hbm>> -> memref<7168xi32, #tpu.memory_space<hbm>>
      tpu.wait_dma2 semaphore(%arg34 : memref<!tpu.dma_semaphore, #tpu.memory_space<semaphore_mem>>) src(%dma_wait3A_123 : memref<7168xi32, #tpu.memory_space<hbm>>) dst(%arg27 : memref<7168xi32, #tpu.memory_space<vmem>>)
      %dma_start3A_124 = arith.constant 0 : i32
      %dma_start3A_125 = tpu.memref_slice %arg11[%dma_start3A_124] : memref<102400xf32, #tpu.memory_space<vmem_shared>> -> memref<102400xf32, #tpu.memory_space<vmem_shared>>
      tpu.enqueue_indirect_dma source(%dma_start3A_125 : memref<102400xf32, #tpu.memory_space<vmem_shared>>) target(%arg31 : memref<7168xf32, #tpu.memory_space<vmem>>) offsets(%arg26 : memref<7168xi32, #tpu.memory_space<vmem>>) semaphore(%arg37 : memref<!tpu.dma_semaphore, #tpu.memory_space<semaphore_mem>>)
      %add3A_126 = arith.constant 28672 : i32
      %add3A_127 = arith.addi %mul3A_8, %add3A_126 : i32
      %dma_start3A_128 = tpu.memref_slice %arg6[%add3A_127] : memref<1605632xi32, #tpu.memory_space<hbm>> -> memref<7168xi32, #tpu.memory_space<hbm>>
      %dma_start3A_129 = tpu.memref_slice %arg6[%add3A_127] : memref<1605632xi32, #tpu.memory_space<hbm>> -> memref<7168xi32, #tpu.memory_space<hbm>>
      tpu.enqueue_dma source(%dma_start3A_129 : memref<7168xi32, #tpu.memory_space<hbm>>) target(%arg25 : memref<7168xi32, #tpu.memory_space<vmem>>) target_semaphore(%arg32 : memref<!tpu.dma_semaphore, #tpu.memory_space<semaphore_mem>>)
      %dma_start3A_130 = tpu.memref_slice %arg7[%add3A_127] : memref<1605632xi32, #tpu.memory_space<hbm>> -> memref<7168xi32, #tpu.memory_space<hbm>>
      %dma_start3A_131 = tpu.memref_slice %arg7[%add3A_127] : memref<1605632xi32, #tpu.memory_space<hbm>> -> memref<7168xi32, #tpu.memory_space<hbm>>
      tpu.enqueue_dma source(%dma_start3A_131 : memref<7168xi32, #tpu.memory_space<hbm>>) target(%arg28 : memref<7168xi32, #tpu.memory_space<vmem>>) target_semaphore(%arg35 : memref<!tpu.dma_semaphore, #tpu.memory_space<semaphore_mem>>)
      %dma_wait3A_132 = arith.constant 0 : i32
      %dma_wait3A_133 = tpu.memref_slice %arg11[%dma_wait3A_132] : memref<102400xf32, #tpu.memory_space<vmem_shared>> -> memref<102400xf32, #tpu.memory_space<vmem_shared>>
      tpu.wait_indirect_dma semaphore(%arg37 : memref<!tpu.dma_semaphore, #tpu.memory_space<semaphore_mem>>) src(%dma_wait3A_133 : memref<102400xf32, #tpu.memory_space<vmem_shared>>) dst(%arg31 : memref<7168xf32, #tpu.memory_space<vmem>>)
      %dma_wait3A_134 = arith.constant 0 : i32
      %dma_wait3A_135 = tpu.memref_slice %arg12[%dma_wait3A_134] : memref<102400xf32, #tpu.memory_space<vmem_shared>> -> memref<102400xf32, #tpu.memory_space<vmem_shared>>
      tpu.wait_indirect_dma semaphore(%arg38 : memref<!tpu.dma_semaphore, #tpu.memory_space<semaphore_mem>>) src(%arg30 : memref<7168xf32, #tpu.memory_space<vmem>>) dst(%dma_wait3A_135 : memref<102400xf32, #tpu.memory_space<vmem_shared>>)
      %dma_start3A_136 = arith.constant 0 : i32
      %dma_start3A_137 = tpu.memref_slice %arg12[%dma_start3A_136] : memref<102400xf32, #tpu.memory_space<vmem_shared>> -> memref<102400xf32, #tpu.memory_space<vmem_shared>>
      tpu.enqueue_indirect_dma source(%arg31 : memref<7168xf32, #tpu.memory_space<vmem>>) target(%dma_start3A_137 : memref<102400xf32, #tpu.memory_space<vmem_shared>>) offsets(%arg27 : memref<7168xi32, #tpu.memory_space<vmem>>) semaphore(%arg38 : memref<!tpu.dma_semaphore, #tpu.memory_space<semaphore_mem>>) {add = true}
      %dma_wait3A_138 = arith.constant 0 : i32
      %dma_wait3A_139 = tpu.memref_slice %arg6[%dma_wait3A_138] : memref<1605632xi32, #tpu.memory_space<hbm>> -> memref<7168xi32, #tpu.memory_space<hbm>>
      %dma_wait3A_140 = arith.constant 0 : i32
      %dma_wait3A_141 = tpu.memref_slice %arg6[%dma_wait3A_140] : memref<1605632xi32, #tpu.memory_space<hbm>> -> memref<7168xi32, #tpu.memory_space<hbm>>
      tpu.wait_dma2 semaphore(%arg32 : memref<!tpu.dma_semaphore, #tpu.memory_space<semaphore_mem>>) src(%dma_wait3A_141 : memref<7168xi32, #tpu.memory_space<hbm>>) dst(%arg25 : memref<7168xi32, #tpu.memory_space<vmem>>)
      %dma_wait3A_142 = arith.constant 0 : i32
      %dma_wait3A_143 = tpu.memref_slice %arg7[%dma_wait3A_142] : memref<1605632xi32, #tpu.memory_space<hbm>> -> memref<7168xi32, #tpu.memory_space<hbm>>
      %dma_wait3A_144 = arith.constant 0 : i32
      %dma_wait3A_145 = tpu.memref_slice %arg7[%dma_wait3A_144] : memref<1605632xi32, #tpu.memory_space<hbm>> -> memref<7168xi32, #tpu.memory_space<hbm>>
      tpu.wait_dma2 semaphore(%arg35 : memref<!tpu.dma_semaphore, #tpu.memory_space<semaphore_mem>>) src(%dma_wait3A_145 : memref<7168xi32, #tpu.memory_space<hbm>>) dst(%arg28 : memref<7168xi32, #tpu.memory_space<vmem>>)
      %dma_start3A_146 = arith.constant 0 : i32
      %dma_start3A_147 = tpu.memref_slice %arg11[%dma_start3A_146] : memref<102400xf32, #tpu.memory_space<vmem_shared>> -> memref<102400xf32, #tpu.memory_space<vmem_shared>>
      tpu.enqueue_indirect_dma source(%dma_start3A_147 : memref<102400xf32, #tpu.memory_space<vmem_shared>>) target(%arg30 : memref<7168xf32, #tpu.memory_space<vmem>>) offsets(%arg25 : memref<7168xi32, #tpu.memory_space<vmem>>) semaphore(%arg37 : memref<!tpu.dma_semaphore, #tpu.memory_space<semaphore_mem>>)
      %add3A_148 = arith.constant 35840 : i32
      %add3A_149 = arith.addi %mul3A_8, %add3A_148 : i32
      %dma_start3A_150 = tpu.memref_slice %arg6[%add3A_149] : memref<1605632xi32, #tpu.memory_space<hbm>> -> memref<7168xi32, #tpu.memory_space<hbm>>
      %dma_start3A_151 = tpu.memref_slice %arg6[%add3A_149] : memref<1605632xi32, #tpu.memory_space<hbm>> -> memref<7168xi32, #tpu.memory_space<hbm>>
      tpu.enqueue_dma source(%dma_start3A_151 : memref<7168xi32, #tpu.memory_space<hbm>>) target(%arg26 : memref<7168xi32, #tpu.memory_space<vmem>>) target_semaphore(%arg33 : memref<!tpu.dma_semaphore, #tpu.memory_space<semaphore_mem>>)
      %dma_start3A_152 = tpu.memref_slice %arg7[%add3A_149] : memref<1605632xi32, #tpu.memory_space<hbm>> -> memref<7168xi32, #tpu.memory_space<hbm>>
      %dma_start3A_153 = tpu.memref_slice %arg7[%add3A_149] : memref<1605632xi32, #tpu.memory_space<hbm>> -> memref<7168xi32, #tpu.memory_space<hbm>>
      tpu.enqueue_dma source(%dma_start3A_153 : memref<7168xi32, #tpu.memory_space<hbm>>) target(%arg29 : memref<7168xi32, #tpu.memory_space<vmem>>) target_semaphore(%arg36 : memref<!tpu.dma_semaphore, #tpu.memory_space<semaphore_mem>>)
      %dma_wait3A_154 = arith.constant 0 : i32
      %dma_wait3A_155 = tpu.memref_slice %arg11[%dma_wait3A_154] : memref<102400xf32, #tpu.memory_space<vmem_shared>> -> memref<102400xf32, #tpu.memory_space<vmem_shared>>
      tpu.wait_indirect_dma semaphore(%arg37 : memref<!tpu.dma_semaphore, #tpu.memory_space<semaphore_mem>>) src(%dma_wait3A_155 : memref<102400xf32, #tpu.memory_space<vmem_shared>>) dst(%arg30 : memref<7168xf32, #tpu.memory_space<vmem>>)
      %dma_wait3A_156 = arith.constant 0 : i32
      %dma_wait3A_157 = tpu.memref_slice %arg12[%dma_wait3A_156] : memref<102400xf32, #tpu.memory_space<vmem_shared>> -> memref<102400xf32, #tpu.memory_space<vmem_shared>>
      tpu.wait_indirect_dma semaphore(%arg38 : memref<!tpu.dma_semaphore, #tpu.memory_space<semaphore_mem>>) src(%arg31 : memref<7168xf32, #tpu.memory_space<vmem>>) dst(%dma_wait3A_157 : memref<102400xf32, #tpu.memory_space<vmem_shared>>)
      %dma_start3A_158 = arith.constant 0 : i32
      %dma_start3A_159 = tpu.memref_slice %arg12[%dma_start3A_158] : memref<102400xf32, #tpu.memory_space<vmem_shared>> -> memref<102400xf32, #tpu.memory_space<vmem_shared>>
      tpu.enqueue_indirect_dma source(%arg30 : memref<7168xf32, #tpu.memory_space<vmem>>) target(%dma_start3A_159 : memref<102400xf32, #tpu.memory_space<vmem_shared>>) offsets(%arg28 : memref<7168xi32, #tpu.memory_space<vmem>>) semaphore(%arg38 : memref<!tpu.dma_semaphore, #tpu.memory_space<semaphore_mem>>) {add = true}
      %dma_wait3A_160 = arith.constant 0 : i32
      %dma_wait3A_161 = tpu.memref_slice %arg6[%dma_wait3A_160] : memref<1605632xi32, #tpu.memory_space<hbm>> -> memref<7168xi32, #tpu.memory_space<hbm>>
      %dma_wait3A_162 = arith.constant 0 : i32
      %dma_wait3A_163 = tpu.memref_slice %arg6[%dma_wait3A_162] : memref<1605632xi32, #tpu.memory_space<hbm>> -> memref<7168xi32, #tpu.memory_space<hbm>>
      tpu.wait_dma2 semaphore(%arg33 : memref<!tpu.dma_semaphore, #tpu.memory_space<semaphore_mem>>) src(%dma_wait3A_163 : memref<7168xi32, #tpu.memory_space<hbm>>) dst(%arg26 : memref<7168xi32, #tpu.memory_space<vmem>>)
      %dma_wait3A_164 = arith.constant 0 : i32
      %dma_wait3A_165 = tpu.memref_slice %arg7[%dma_wait3A_164] : memref<1605632xi32, #tpu.memory_space<hbm>> -> memref<7168xi32, #tpu.memory_space<hbm>>
      %dma_wait3A_166 = arith.constant 0 : i32
      %dma_wait3A_167 = tpu.memref_slice %arg7[%dma_wait3A_166] : memref<1605632xi32, #tpu.memory_space<hbm>> -> memref<7168xi32, #tpu.memory_space<hbm>>
      tpu.wait_dma2 semaphore(%arg36 : memref<!tpu.dma_semaphore, #tpu.memory_space<semaphore_mem>>) src(%dma_wait3A_167 : memref<7168xi32, #tpu.memory_space<hbm>>) dst(%arg29 : memref<7168xi32, #tpu.memory_space<vmem>>)
      %dma_start3A_168 = arith.constant 0 : i32
      %dma_start3A_169 = tpu.memref_slice %arg11[%dma_start3A_168] : memref<102400xf32, #tpu.memory_space<vmem_shared>> -> memref<102400xf32, #tpu.memory_space<vmem_shared>>
      tpu.enqueue_indirect_dma source(%dma_start3A_169 : memref<102400xf32, #tpu.memory_space<vmem_shared>>) target(%arg31 : memref<7168xf32, #tpu.memory_space<vmem>>) offsets(%arg26 : memref<7168xi32, #tpu.memory_space<vmem>>) semaphore(%arg37 : memref<!tpu.dma_semaphore, #tpu.memory_space<semaphore_mem>>)
      %add3A_170 = arith.constant 43008 : i32
      %add3A_171 = arith.addi %mul3A_8, %add3A_170 : i32
      %dma_start3A_172 = tpu.memref_slice %arg6[%add3A_171] : memref<1605632xi32, #tpu.memory_space<hbm>> -> memref<7168xi32, #tpu.memory_space<hbm>>
      %dma_start3A_173 = tpu.memref_slice %arg6[%add3A_171] : memref<1605632xi32, #tpu.memory_space<hbm>> -> memref<7168xi32, #tpu.memory_space<hbm>>
      tpu.enqueue_dma source(%dma_start3A_173 : memref<7168xi32, #tpu.memory_space<hbm>>) target(%arg25 : memref<7168xi32, #tpu.memory_space<vmem>>) target_semaphore(%arg32 : memref<!tpu.dma_semaphore, #tpu.memory_space<semaphore_mem>>)
      %dma_start3A_174 = tpu.memref_slice %arg7[%add3A_171] : memref<1605632xi32, #tpu.memory_space<hbm>> -> memref<7168xi32, #tpu.memory_space<hbm>>
      %dma_start3A_175 = tpu.memref_slice %arg7[%add3A_171] : memref<1605632xi32, #tpu.memory_space<hbm>> -> memref<7168xi32, #tpu.memory_space<hbm>>
      tpu.enqueue_dma source(%dma_start3A_175 : memref<7168xi32, #tpu.memory_space<hbm>>) target(%arg27 : memref<7168xi32, #tpu.memory_space<vmem>>) target_semaphore(%arg34 : memref<!tpu.dma_semaphore, #tpu.memory_space<semaphore_mem>>)
      %dma_wait3A_176 = arith.constant 0 : i32
      %dma_wait3A_177 = tpu.memref_slice %arg11[%dma_wait3A_176] : memref<102400xf32, #tpu.memory_space<vmem_shared>> -> memref<102400xf32, #tpu.memory_space<vmem_shared>>
      tpu.wait_indirect_dma semaphore(%arg37 : memref<!tpu.dma_semaphore, #tpu.memory_space<semaphore_mem>>) src(%dma_wait3A_177 : memref<102400xf32, #tpu.memory_space<vmem_shared>>) dst(%arg31 : memref<7168xf32, #tpu.memory_space<vmem>>)
      %dma_wait3A_178 = arith.constant 0 : i32
      %dma_wait3A_179 = tpu.memref_slice %arg12[%dma_wait3A_178] : memref<102400xf32, #tpu.memory_space<vmem_shared>> -> memref<102400xf32, #tpu.memory_space<vmem_shared>>
      tpu.wait_indirect_dma semaphore(%arg38 : memref<!tpu.dma_semaphore, #tpu.memory_space<semaphore_mem>>) src(%arg30 : memref<7168xf32, #tpu.memory_space<vmem>>) dst(%dma_wait3A_179 : memref<102400xf32, #tpu.memory_space<vmem_shared>>)
      %dma_start3A_180 = arith.constant 0 : i32
      %dma_start3A_181 = tpu.memref_slice %arg12[%dma_start3A_180] : memref<102400xf32, #tpu.memory_space<vmem_shared>> -> memref<102400xf32, #tpu.memory_space<vmem_shared>>
      tpu.enqueue_indirect_dma source(%arg31 : memref<7168xf32, #tpu.memory_space<vmem>>) target(%dma_start3A_181 : memref<102400xf32, #tpu.memory_space<vmem_shared>>) offsets(%arg29 : memref<7168xi32, #tpu.memory_space<vmem>>) semaphore(%arg38 : memref<!tpu.dma_semaphore, #tpu.memory_space<semaphore_mem>>) {add = true}
      %dma_wait3A_182 = arith.constant 0 : i32
      %dma_wait3A_183 = tpu.memref_slice %arg6[%dma_wait3A_182] : memref<1605632xi32, #tpu.memory_space<hbm>> -> memref<7168xi32, #tpu.memory_space<hbm>>
      %dma_wait3A_184 = arith.constant 0 : i32
      %dma_wait3A_185 = tpu.memref_slice %arg6[%dma_wait3A_184] : memref<1605632xi32, #tpu.memory_space<hbm>> -> memref<7168xi32, #tpu.memory_space<hbm>>
      tpu.wait_dma2 semaphore(%arg32 : memref<!tpu.dma_semaphore, #tpu.memory_space<semaphore_mem>>) src(%dma_wait3A_185 : memref<7168xi32, #tpu.memory_space<hbm>>) dst(%arg25 : memref<7168xi32, #tpu.memory_space<vmem>>)
      %dma_wait3A_186 = arith.constant 0 : i32
      %dma_wait3A_187 = tpu.memref_slice %arg7[%dma_wait3A_186] : memref<1605632xi32, #tpu.memory_space<hbm>> -> memref<7168xi32, #tpu.memory_space<hbm>>
      %dma_wait3A_188 = arith.constant 0 : i32
      %dma_wait3A_189 = tpu.memref_slice %arg7[%dma_wait3A_188] : memref<1605632xi32, #tpu.memory_space<hbm>> -> memref<7168xi32, #tpu.memory_space<hbm>>
      tpu.wait_dma2 semaphore(%arg34 : memref<!tpu.dma_semaphore, #tpu.memory_space<semaphore_mem>>) src(%dma_wait3A_189 : memref<7168xi32, #tpu.memory_space<hbm>>) dst(%arg27 : memref<7168xi32, #tpu.memory_space<vmem>>)
      %dma_start3A_190 = arith.constant 0 : i32
      %dma_start3A_191 = tpu.memref_slice %arg11[%dma_start3A_190] : memref<102400xf32, #tpu.memory_space<vmem_shared>> -> memref<102400xf32, #tpu.memory_space<vmem_shared>>
      tpu.enqueue_indirect_dma source(%dma_start3A_191 : memref<102400xf32, #tpu.memory_space<vmem_shared>>) target(%arg30 : memref<7168xf32, #tpu.memory_space<vmem>>) offsets(%arg25 : memref<7168xi32, #tpu.memory_space<vmem>>) semaphore(%arg37 : memref<!tpu.dma_semaphore, #tpu.memory_space<semaphore_mem>>)
      %dma_wait3A_192 = arith.constant 0 : i32
      %dma_wait3A_193 = tpu.memref_slice %arg11[%dma_wait3A_192] : memref<102400xf32, #tpu.memory_space<vmem_shared>> -> memref<102400xf32, #tpu.memory_space<vmem_shared>>
      tpu.wait_indirect_dma semaphore(%arg37 : memref<!tpu.dma_semaphore, #tpu.memory_space<semaphore_mem>>) src(%dma_wait3A_193 : memref<102400xf32, #tpu.memory_space<vmem_shared>>) dst(%arg30 : memref<7168xf32, #tpu.memory_space<vmem>>)
      %dma_wait3A_194 = arith.constant 0 : i32
      %dma_wait3A_195 = tpu.memref_slice %arg12[%dma_wait3A_194] : memref<102400xf32, #tpu.memory_space<vmem_shared>> -> memref<102400xf32, #tpu.memory_space<vmem_shared>>
      tpu.wait_indirect_dma semaphore(%arg38 : memref<!tpu.dma_semaphore, #tpu.memory_space<semaphore_mem>>) src(%arg31 : memref<7168xf32, #tpu.memory_space<vmem>>) dst(%dma_wait3A_195 : memref<102400xf32, #tpu.memory_space<vmem_shared>>)
      %dma_start3A_196 = arith.constant 0 : i32
      %dma_start3A_197 = tpu.memref_slice %arg12[%dma_start3A_196] : memref<102400xf32, #tpu.memory_space<vmem_shared>> -> memref<102400xf32, #tpu.memory_space<vmem_shared>>
      tpu.enqueue_indirect_dma source(%arg30 : memref<7168xf32, #tpu.memory_space<vmem>>) target(%dma_start3A_197 : memref<102400xf32, #tpu.memory_space<vmem_shared>>) offsets(%arg27 : memref<7168xi32, #tpu.memory_space<vmem>>) semaphore(%arg38 : memref<!tpu.dma_semaphore, #tpu.memory_space<semaphore_mem>>) {add = true}
      %dma_wait3A_198 = arith.constant 0 : i32
      %dma_wait3A_199 = tpu.memref_slice %arg12[%dma_wait3A_198] : memref<102400xf32, #tpu.memory_space<vmem_shared>> -> memref<102400xf32, #tpu.memory_space<vmem_shared>>
      tpu.wait_indirect_dma semaphore(%arg38 : memref<!tpu.dma_semaphore, #tpu.memory_space<semaphore_mem>>) src(%arg30 : memref<7168xf32, #tpu.memory_space<vmem>>) dst(%dma_wait3A_199 : memref<102400xf32, #tpu.memory_space<vmem_shared>>)
      %barrier3A_200 = arith.constant 0 : index
      tpu.barrier barrier_id(%barrier3A_200)
      "tpu.region"() ({
        %run_scoped3A = tpu.sem_alloc : memref<!tpu.dma_semaphore, #tpu.memory_space<semaphore_mem>>
        %dma_start3A_235 = tpu.memref_slice %arg12[%mul3A_10] : memref<102400xf32, #tpu.memory_space<vmem_shared>> -> memref<3200xf32, #tpu.memory_space<vmem_shared>>
        %dma_start3A_236 = tpu.memref_slice %arg12[%mul3A_10] : memref<102400xf32, #tpu.memory_space<vmem_shared>> -> memref<3200xf32, #tpu.memory_space<vmem_shared>>
        tpu.enqueue_dma source(%dma_start3A_236 : memref<3200xf32, #tpu.memory_space<vmem_shared>>) target(%arg21 : memref<3200xf32, #tpu.memory_space<vmem>>) target_semaphore(%run_scoped3A : memref<!tpu.dma_semaphore, #tpu.memory_space<semaphore_mem>>)
        %dma_wait3A_237 = tpu.memref_slice %arg12[%mul3A_10] : memref<102400xf32, #tpu.memory_space<vmem_shared>> -> memref<3200xf32, #tpu.memory_space<vmem_shared>>
        %dma_wait3A_238 = tpu.memref_slice %arg12[%mul3A_10] : memref<102400xf32, #tpu.memory_space<vmem_shared>> -> memref<3200xf32, #tpu.memory_space<vmem_shared>>
        tpu.wait_dma2 semaphore(%run_scoped3A : memref<!tpu.dma_semaphore, #tpu.memory_space<semaphore_mem>>) src(%dma_wait3A_238 : memref<3200xf32, #tpu.memory_space<vmem_shared>>) dst(%arg21 : memref<3200xf32, #tpu.memory_space<vmem>>)
        tpu.yield
      }) : () -> ()
      "tpu.region"() ({
        %run_scoped3A = tpu.sem_alloc : memref<!tpu.dma_semaphore, #tpu.memory_space<semaphore_mem>>
        %dma_start3A_235 = tpu.memref_slice %arg10[%mul3A_10] : memref<102400xf32, #tpu.memory_space<hbm>> -> memref<3200xf32, #tpu.memory_space<hbm>>
        %dma_start3A_236 = tpu.memref_slice %arg10[%mul3A_10] : memref<102400xf32, #tpu.memory_space<hbm>> -> memref<3200xf32, #tpu.memory_space<hbm>>
        tpu.enqueue_dma source(%arg21 : memref<3200xf32, #tpu.memory_space<vmem>>) target(%dma_start3A_236 : memref<3200xf32, #tpu.memory_space<hbm>>) target_semaphore(%run_scoped3A : memref<!tpu.dma_semaphore, #tpu.memory_space<semaphore_mem>>)
        %dma_wait3A_237 = tpu.memref_slice %arg10[%mul3A_10] : memref<102400xf32, #tpu.memory_space<hbm>> -> memref<3200xf32, #tpu.memory_space<hbm>>
        %dma_wait3A_238 = tpu.memref_slice %arg10[%mul3A_10] : memref<102400xf32, #tpu.memory_space<hbm>> -> memref<3200xf32, #tpu.memory_space<hbm>>
        tpu.wait_dma2 semaphore(%run_scoped3A : memref<!tpu.dma_semaphore, #tpu.memory_space<semaphore_mem>>) src(%arg21 : memref<3200xf32, #tpu.memory_space<vmem>>) dst(%dma_wait3A_238 : memref<3200xf32, #tpu.memory_space<hbm>>)
        tpu.yield
      }) : () -> ()
      %gt3A_201 = arith.constant 0 : i32
      %gt3A_202 = arith.cmpi sgt, %scan3A_26, %gt3A_201 : i32
      %convert_element_type3A_203 = arith.extui %gt3A_202 : i1 to i32
      %cond3A_204 = arith.constant 0 : i32
      %cond3A_205 = arith.cmpi ne, %convert_element_type3A_203, %cond3A_204 : i32
      scf.if %cond3A_205 {
        %sub3A_235 = arith.constant 1 : i32
        %sub3A_236 = arith.subi %sub3A_235, %arg0 : i32
        %semaphore_signal3A = arith.constant 1 : i32
        tpu.sem_signal %arg24, %semaphore_signal3A core_id %sub3A_236 : memref<!tpu.semaphore, #tpu.memory_space<semaphore_mem>>
      } else {
      }
      "tpu.region"() ({
        %run_scoped3A = tpu.sem_alloc : memref<!tpu.dma_semaphore, #tpu.memory_space<semaphore_mem>>
        %dma_start3A_235 = tpu.memref_slice %arg12[%mul3A_6] : memref<102400xf32, #tpu.memory_space<vmem_shared>> -> memref<3200xf32, #tpu.memory_space<vmem_shared>>
        %dma_start3A_236 = tpu.memref_slice %arg12[%mul3A_6] : memref<102400xf32, #tpu.memory_space<vmem_shared>> -> memref<3200xf32, #tpu.memory_space<vmem_shared>>
        tpu.enqueue_dma source(%dma_start3A_236 : memref<3200xf32, #tpu.memory_space<vmem_shared>>) target(%arg20 : memref<3200xf32, #tpu.memory_space<vmem>>) target_semaphore(%run_scoped3A : memref<!tpu.dma_semaphore, #tpu.memory_space<semaphore_mem>>)
        %dma_wait3A_237 = tpu.memref_slice %arg12[%mul3A_6] : memref<102400xf32, #tpu.memory_space<vmem_shared>> -> memref<3200xf32, #tpu.memory_space<vmem_shared>>
        %dma_wait3A_238 = tpu.memref_slice %arg12[%mul3A_6] : memref<102400xf32, #tpu.memory_space<vmem_shared>> -> memref<3200xf32, #tpu.memory_space<vmem_shared>>
        tpu.wait_dma2 semaphore(%run_scoped3A : memref<!tpu.dma_semaphore, #tpu.memory_space<semaphore_mem>>) src(%dma_wait3A_238 : memref<3200xf32, #tpu.memory_space<vmem_shared>>) dst(%arg20 : memref<3200xf32, #tpu.memory_space<vmem>>)
        tpu.yield
      }) : () -> ()
      %dma_wait3A_206 = tpu.memref_slice %arg2[%scan3A_26, %mul3A_6] : memref<50x102400xf32, #tpu.memory_space<hbm>> -> memref<1x3200xf32, #tpu.memory_space<hbm>>
      %dma_wait3A_207 = tpu.memref_squeeze %dma_wait3A_206 : memref<1x3200xf32, #tpu.memory_space<hbm>> -> memref<3200xf32, #tpu.memory_space<hbm>>
      %dma_wait3A_208 = tpu.memref_slice %arg2[%scan3A_26, %mul3A_6] : memref<50x102400xf32, #tpu.memory_space<hbm>> -> memref<1x3200xf32, #tpu.memory_space<hbm>>
      %dma_wait3A_209 = tpu.memref_squeeze %dma_wait3A_208 : memref<1x3200xf32, #tpu.memory_space<hbm>> -> memref<3200xf32, #tpu.memory_space<hbm>>
      tpu.wait_dma2 semaphore(%arg39 : memref<!tpu.dma_semaphore, #tpu.memory_space<semaphore_mem>>) src(%dma_wait3A_209 : memref<3200xf32, #tpu.memory_space<hbm>>) dst(%arg17 : memref<3200xf32, #tpu.memory_space<vmem>>)
      %gt3A_210 = arith.constant 0 : i32
      %gt3A_211 = arith.cmpi sgt, %scan3A_26, %gt3A_210 : i32
      %convert_element_type3A_212 = arith.extui %gt3A_211 : i1 to i32
      %cond3A_213 = arith.constant 0 : i32
      %cond3A_214 = arith.cmpi ne, %convert_element_type3A_212, %cond3A_213 : i32
      scf.if %cond3A_214 {
        %semaphore_wait3A = arith.constant 1 : i32
        %semaphore_wait3A_235 = arith.constant true
        tpu.sem_wait %arg24, %semaphore_wait3A : memref<!tpu.semaphore, #tpu.memory_space<semaphore_mem>>
      } else {
      }
      %gt3A_215 = arith.constant 0 : i32
      %gt3A_216 = arith.cmpi sgt, %scan3A_26, %gt3A_215 : i32
      %convert_element_type3A_217 = arith.extui %gt3A_216 : i1 to i32
      %cond3A_218 = arith.constant 0 : i32
      %cond3A_219 = arith.cmpi ne, %convert_element_type3A_217, %cond3A_218 : i32
      scf.if %cond3A_219 {
        "tpu.region"() ({
          %run_scoped3A = tpu.sem_alloc : memref<!tpu.dma_semaphore, #tpu.memory_space<semaphore_mem>>
          %dma_start3A_235 = tpu.memref_slice %arg10[%mul3A_6] : memref<102400xf32, #tpu.memory_space<hbm>> -> memref<3200xf32, #tpu.memory_space<hbm>>
          %dma_start3A_236 = tpu.memref_slice %arg10[%mul3A_6] : memref<102400xf32, #tpu.memory_space<hbm>> -> memref<3200xf32, #tpu.memory_space<hbm>>
          tpu.enqueue_dma source(%dma_start3A_236 : memref<3200xf32, #tpu.memory_space<hbm>>) target(%arg21 : memref<3200xf32, #tpu.memory_space<vmem>>) target_semaphore(%run_scoped3A : memref<!tpu.dma_semaphore, #tpu.memory_space<semaphore_mem>>)
          %dma_wait3A_237 = tpu.memref_slice %arg10[%mul3A_6] : memref<102400xf32, #tpu.memory_space<hbm>> -> memref<3200xf32, #tpu.memory_space<hbm>>
          %dma_wait3A_238 = tpu.memref_slice %arg10[%mul3A_6] : memref<102400xf32, #tpu.memory_space<hbm>> -> memref<3200xf32, #tpu.memory_space<hbm>>
          tpu.wait_dma2 semaphore(%run_scoped3A : memref<!tpu.dma_semaphore, #tpu.memory_space<semaphore_mem>>) src(%dma_wait3A_238 : memref<3200xf32, #tpu.memory_space<hbm>>) dst(%arg21 : memref<3200xf32, #tpu.memory_space<vmem>>)
          tpu.yield
        }) : () -> ()
      } else {
      }
      %gt3A_220 = arith.constant 0 : i32
      %gt3A_221 = arith.cmpi sgt, %scan3A_26, %gt3A_220 : i32
      %convert_element_type3A_222 = arith.extui %gt3A_221 : i1 to i32
      %cond3A_223 = arith.constant 0 : i32
      %cond3A_224 = arith.cmpi ne, %convert_element_type3A_222, %cond3A_223 : i32
      scf.if %cond3A_224 {
        %sub3A_235 = arith.constant 1 : i32
        %sub3A_236 = arith.subi %scan3A_26, %sub3A_235 : i32
        %dma_wait3A_237 = tpu.memref_slice %arg8[%sub3A_236, %mul3A_6] : memref<50x102400xf32, #tpu.memory_space<hbm>> -> memref<1x3200xf32, #tpu.memory_space<hbm>>
        %dma_wait3A_238 = tpu.memref_squeeze %dma_wait3A_237 : memref<1x3200xf32, #tpu.memory_space<hbm>> -> memref<3200xf32, #tpu.memory_space<hbm>>
        %dma_wait3A_239 = tpu.memref_slice %arg8[%sub3A_236, %mul3A_6] : memref<50x102400xf32, #tpu.memory_space<hbm>> -> memref<1x3200xf32, #tpu.memory_space<hbm>>
        %dma_wait3A_240 = tpu.memref_squeeze %dma_wait3A_239 : memref<1x3200xf32, #tpu.memory_space<hbm>> -> memref<3200xf32, #tpu.memory_space<hbm>>
        tpu.wait_dma2 semaphore(%arg40 : memref<!tpu.dma_semaphore, #tpu.memory_space<semaphore_mem>>) src(%arg16 : memref<3200xf32, #tpu.memory_space<vmem>>) dst(%dma_wait3A_240 : memref<3200xf32, #tpu.memory_space<hbm>>)
      } else {
      }
      %scan3A_225 = arith.constant 0 : i32
      %scan3A_226 = arith.constant 0 : i32
      %scan3A_227 = arith.constant 50 : i32
      %scan3A_228 = arith.addi %scan3A_226, %scan3A_227 : i32
      %scan3A_229 = arith.constant 1 : i32
      scf.for %scan3A_235 = %scan3A_226 to %scan3A_228 step %scan3A_229  : i32 {
        %mul3A_236 = arith.constant 4 : i32
        %mul3A_237 = arith.muli %scan3A_235, %mul3A_236 : i32
        %add3A_238 = arith.constant 0 : i32
        %add3A_239 = arith.addi %mul3A_237, %add3A_238 : i32
        %mul3A_240 = arith.constant 16 : i32
        %mul3A_241 = arith.muli %add3A_239, %mul3A_240 : i32
        %get3A = arith.index_cast %mul3A_241 : i32 to index
        %get3A_242 = tpu.vector_load %arg17[%get3A] {strides = array<i32>} : memref<3200xf32, #tpu.memory_space<vmem>>, vector<16xf32>,
        %get3A_243 = vector.shape_cast %get3A_242 : vector<16xf32> to vector<16xf32>
        %mul3A_244 = arith.constant 1.15740741E-5 : f32
        %mul3A_245 = vector.broadcast %mul3A_244 : f32 to vector<16xf32>
        %mul3A_246 = arith.mulf %get3A_243, %mul3A_245 : vector<16xf32>
        %get3A_247 = arith.index_cast %mul3A_241 : i32 to index
        %get3A_248 = tpu.vector_load %arg14[%get3A_247] {strides = array<i32>} : memref<3200xf32, #tpu.memory_space<vmem>>, vector<16xf32>,
        %get3A_249 = vector.shape_cast %get3A_248 : vector<16xf32> to vector<16xf32>
        %get3A_250 = arith.index_cast %mul3A_241 : i32 to index
        %get3A_251 = tpu.vector_load %arg16[%get3A_250] {strides = array<i32>} : memref<3200xf32, #tpu.memory_space<vmem>>, vector<16xf32>,
        %get3A_252 = vector.shape_cast %get3A_251 : vector<16xf32> to vector<16xf32>
        %mul3A_253 = arith.mulf %get3A_249, %get3A_252 : vector<16xf32>
        %get3A_254 = arith.index_cast %mul3A_241 : i32 to index
        %get3A_255 = tpu.vector_load %arg15[%get3A_254] {strides = array<i32>} : memref<3200xf32, #tpu.memory_space<vmem>>, vector<16xf32>,
        %get3A_256 = vector.shape_cast %get3A_255 : vector<16xf32> to vector<16xf32>
        %get3A_257 = arith.index_cast %mul3A_241 : i32 to index
        %get3A_258 = tpu.vector_load %arg20[%get3A_257] {strides = array<i32>} : memref<3200xf32, #tpu.memory_space<vmem>>, vector<16xf32>,
        %get3A_259 = vector.shape_cast %get3A_258 : vector<16xf32> to vector<16xf32>
        %get3A_260 = arith.index_cast %mul3A_241 : i32 to index
        %get3A_261 = tpu.vector_load %arg21[%get3A_260] {strides = array<i32>} : memref<3200xf32, #tpu.memory_space<vmem>>, vector<16xf32>,
        %get3A_262 = vector.shape_cast %get3A_261 : vector<16xf32> to vector<16xf32>
        %add3A_263 = arith.addf %get3A_259, %get3A_262 : vector<16xf32>
        %add3A_264 = arith.addf %add3A_263, %mul3A_246 : vector<16xf32>
        %mul3A_265 = arith.mulf %get3A_256, %add3A_264 : vector<16xf32>
        %add3A_266 = arith.addf %mul3A_253, %mul3A_265 : vector<16xf32>
        %swap3A = arith.index_cast %mul3A_241 : i32 to index
        %swap3A_267 = tpu.vector_load %arg16[%swap3A] {strides = array<i32>} : memref<3200xf32, #tpu.memory_space<vmem>>, vector<16xf32>,
        %swap3A_268 = vector.shape_cast %swap3A_267 : vector<16xf32> to vector<16xf32>
        %swap3A_269 = vector.shape_cast %add3A_266 : vector<16xf32> to vector<16xf32>
        tpu.vector_store %arg16[%swap3A], %swap3A_269 {strides = array<i32>} : memref<3200xf32, #tpu.memory_space<vmem>>, vector<16xf32>,
        %get3A_270 = arith.index_cast %mul3A_241 : i32 to index
        %get3A_271 = tpu.vector_load %arg13[%get3A_270] {strides = array<i32>} : memref<3200xf32, #tpu.memory_space<vmem>>, vector<16xf32>,
        %get3A_272 = vector.shape_cast %get3A_271 : vector<16xf32> to vector<16xf32>
        %mul3A_273 = arith.mulf %add3A_266, %get3A_272 : vector<16xf32>
        %swap3A_274 = arith.index_cast %mul3A_241 : i32 to index
        %swap3A_275 = tpu.vector_load %arg18[%swap3A_274] {strides = array<i32>} : memref<3200xf32, #tpu.memory_space<vmem>>, vector<16xf32>,
        %swap3A_276 = vector.shape_cast %swap3A_275 : vector<16xf32> to vector<16xf32>
        %swap3A_277 = vector.shape_cast %mul3A_273 : vector<16xf32> to vector<16xf32>
        tpu.vector_store %arg18[%swap3A_274], %swap3A_277 {strides = array<i32>} : memref<3200xf32, #tpu.memory_space<vmem>>, vector<16xf32>,
        %mul3A_278 = arith.constant 4 : i32
        %mul3A_279 = arith.muli %scan3A_235, %mul3A_278 : i32
        %add3A_280 = arith.constant 1 : i32
        %add3A_281 = arith.addi %mul3A_279, %add3A_280 : i32
        %mul3A_282 = arith.constant 16 : i32
        %mul3A_283 = arith.muli %add3A_281, %mul3A_282 : i32
        %get3A_284 = arith.index_cast %mul3A_283 : i32 to index
        %get3A_285 = tpu.vector_load %arg17[%get3A_284] {strides = array<i32>} : memref<3200xf32, #tpu.memory_space<vmem>>, vector<16xf32>,
        %get3A_286 = vector.shape_cast %get3A_285 : vector<16xf32> to vector<16xf32>
        %mul3A_287 = arith.constant 1.15740741E-5 : f32
        %mul3A_288 = vector.broadcast %mul3A_287 : f32 to vector<16xf32>
        %mul3A_289 = arith.mulf %get3A_286, %mul3A_288 : vector<16xf32>
        %get3A_290 = arith.index_cast %mul3A_283 : i32 to index
        %get3A_291 = tpu.vector_load %arg14[%get3A_290] {strides = array<i32>} : memref<3200xf32, #tpu.memory_space<vmem>>, vector<16xf32>,
        %get3A_292 = vector.shape_cast %get3A_291 : vector<16xf32> to vector<16xf32>
        %get3A_293 = arith.index_cast %mul3A_283 : i32 to index
        %get3A_294 = tpu.vector_load %arg16[%get3A_293] {strides = array<i32>} : memref<3200xf32, #tpu.memory_space<vmem>>, vector<16xf32>,
        %get3A_295 = vector.shape_cast %get3A_294 : vector<16xf32> to vector<16xf32>
        %mul3A_296 = arith.mulf %get3A_292, %get3A_295 : vector<16xf32>
        %get3A_297 = arith.index_cast %mul3A_283 : i32 to index
        %get3A_298 = tpu.vector_load %arg15[%get3A_297] {strides = array<i32>} : memref<3200xf32, #tpu.memory_space<vmem>>, vector<16xf32>,
        %get3A_299 = vector.shape_cast %get3A_298 : vector<16xf32> to vector<16xf32>
        %get3A_300 = arith.index_cast %mul3A_283 : i32 to index
        %get3A_301 = tpu.vector_load %arg20[%get3A_300] {strides = array<i32>} : memref<3200xf32, #tpu.memory_space<vmem>>, vector<16xf32>,
        %get3A_302 = vector.shape_cast %get3A_301 : vector<16xf32> to vector<16xf32>
        %get3A_303 = arith.index_cast %mul3A_283 : i32 to index
        %get3A_304 = tpu.vector_load %arg21[%get3A_303] {strides = array<i32>} : memref<3200xf32, #tpu.memory_space<vmem>>, vector<16xf32>,
        %get3A_305 = vector.shape_cast %get3A_304 : vector<16xf32> to vector<16xf32>
        %add3A_306 = arith.addf %get3A_302, %get3A_305 : vector<16xf32>
        %add3A_307 = arith.addf %add3A_306, %mul3A_289 : vector<16xf32>
        %mul3A_308 = arith.mulf %get3A_299, %add3A_307 : vector<16xf32>
        %add3A_309 = arith.addf %mul3A_296, %mul3A_308 : vector<16xf32>
        %swap3A_310 = arith.index_cast %mul3A_283 : i32 to index
        %swap3A_311 = tpu.vector_load %arg16[%swap3A_310] {strides = array<i32>} : memref<3200xf32, #tpu.memory_space<vmem>>, vector<16xf32>,
        %swap3A_312 = vector.shape_cast %swap3A_311 : vector<16xf32> to vector<16xf32>
        %swap3A_313 = vector.shape_cast %add3A_309 : vector<16xf32> to vector<16xf32>
        tpu.vector_store %arg16[%swap3A_310], %swap3A_313 {strides = array<i32>} : memref<3200xf32, #tpu.memory_space<vmem>>, vector<16xf32>,
        %get3A_314 = arith.index_cast %mul3A_283 : i32 to index
        %get3A_315 = tpu.vector_load %arg13[%get3A_314] {strides = array<i32>} : memref<3200xf32, #tpu.memory_space<vmem>>, vector<16xf32>,
        %get3A_316 = vector.shape_cast %get3A_315 : vector<16xf32> to vector<16xf32>
        %mul3A_317 = arith.mulf %add3A_309, %get3A_316 : vector<16xf32>
        %swap3A_318 = arith.index_cast %mul3A_283 : i32 to index
        %swap3A_319 = tpu.vector_load %arg18[%swap3A_318] {strides = array<i32>} : memref<3200xf32, #tpu.memory_space<vmem>>, vector<16xf32>,
        %swap3A_320 = vector.shape_cast %swap3A_319 : vector<16xf32> to vector<16xf32>
        %swap3A_321 = vector.shape_cast %mul3A_317 : vector<16xf32> to vector<16xf32>
        tpu.vector_store %arg18[%swap3A_318], %swap3A_321 {strides = array<i32>} : memref<3200xf32, #tpu.memory_space<vmem>>, vector<16xf32>,
        %mul3A_322 = arith.constant 4 : i32
        %mul3A_323 = arith.muli %scan3A_235, %mul3A_322 : i32
        %add3A_324 = arith.constant 2 : i32
        %add3A_325 = arith.addi %mul3A_323, %add3A_324 : i32
        %mul3A_326 = arith.constant 16 : i32
        %mul3A_327 = arith.muli %add3A_325, %mul3A_326 : i32
        %get3A_328 = arith.index_cast %mul3A_327 : i32 to index
        %get3A_329 = tpu.vector_load %arg17[%get3A_328] {strides = array<i32>} : memref<3200xf32, #tpu.memory_space<vmem>>, vector<16xf32>,
        %get3A_330 = vector.shape_cast %get3A_329 : vector<16xf32> to vector<16xf32>
        %mul3A_331 = arith.constant 1.15740741E-5 : f32
        %mul3A_332 = vector.broadcast %mul3A_331 : f32 to vector<16xf32>
        %mul3A_333 = arith.mulf %get3A_330, %mul3A_332 : vector<16xf32>
        %get3A_334 = arith.index_cast %mul3A_327 : i32 to index
        %get3A_335 = tpu.vector_load %arg14[%get3A_334] {strides = array<i32>} : memref<3200xf32, #tpu.memory_space<vmem>>, vector<16xf32>,
        %get3A_336 = vector.shape_cast %get3A_335 : vector<16xf32> to vector<16xf32>
        %get3A_337 = arith.index_cast %mul3A_327 : i32 to index
        %get3A_338 = tpu.vector_load %arg16[%get3A_337] {strides = array<i32>} : memref<3200xf32, #tpu.memory_space<vmem>>, vector<16xf32>,
        %get3A_339 = vector.shape_cast %get3A_338 : vector<16xf32> to vector<16xf32>
        %mul3A_340 = arith.mulf %get3A_336, %get3A_339 : vector<16xf32>
        %get3A_341 = arith.index_cast %mul3A_327 : i32 to index
        %get3A_342 = tpu.vector_load %arg15[%get3A_341] {strides = array<i32>} : memref<3200xf32, #tpu.memory_space<vmem>>, vector<16xf32>,
        %get3A_343 = vector.shape_cast %get3A_342 : vector<16xf32> to vector<16xf32>
        %get3A_344 = arith.index_cast %mul3A_327 : i32 to index
        %get3A_345 = tpu.vector_load %arg20[%get3A_344] {strides = array<i32>} : memref<3200xf32, #tpu.memory_space<vmem>>, vector<16xf32>,
        %get3A_346 = vector.shape_cast %get3A_345 : vector<16xf32> to vector<16xf32>
        %get3A_347 = arith.index_cast %mul3A_327 : i32 to index
        %get3A_348 = tpu.vector_load %arg21[%get3A_347] {strides = array<i32>} : memref<3200xf32, #tpu.memory_space<vmem>>, vector<16xf32>,
        %get3A_349 = vector.shape_cast %get3A_348 : vector<16xf32> to vector<16xf32>
        %add3A_350 = arith.addf %get3A_346, %get3A_349 : vector<16xf32>
        %add3A_351 = arith.addf %add3A_350, %mul3A_333 : vector<16xf32>
        %mul3A_352 = arith.mulf %get3A_343, %add3A_351 : vector<16xf32>
        %add3A_353 = arith.addf %mul3A_340, %mul3A_352 : vector<16xf32>
        %swap3A_354 = arith.index_cast %mul3A_327 : i32 to index
        %swap3A_355 = tpu.vector_load %arg16[%swap3A_354] {strides = array<i32>} : memref<3200xf32, #tpu.memory_space<vmem>>, vector<16xf32>,
        %swap3A_356 = vector.shape_cast %swap3A_355 : vector<16xf32> to vector<16xf32>
        %swap3A_357 = vector.shape_cast %add3A_353 : vector<16xf32> to vector<16xf32>
        tpu.vector_store %arg16[%swap3A_354], %swap3A_357 {strides = array<i32>} : memref<3200xf32, #tpu.memory_space<vmem>>, vector<16xf32>,
        %get3A_358 = arith.index_cast %mul3A_327 : i32 to index
        %get3A_359 = tpu.vector_load %arg13[%get3A_358] {strides = array<i32>} : memref<3200xf32, #tpu.memory_space<vmem>>, vector<16xf32>,
        %get3A_360 = vector.shape_cast %get3A_359 : vector<16xf32> to vector<16xf32>
        %mul3A_361 = arith.mulf %add3A_353, %get3A_360 : vector<16xf32>
        %swap3A_362 = arith.index_cast %mul3A_327 : i32 to index
        %swap3A_363 = tpu.vector_load %arg18[%swap3A_362] {strides = array<i32>} : memref<3200xf32, #tpu.memory_space<vmem>>, vector<16xf32>,
        %swap3A_364 = vector.shape_cast %swap3A_363 : vector<16xf32> to vector<16xf32>
        %swap3A_365 = vector.shape_cast %mul3A_361 : vector<16xf32> to vector<16xf32>
        tpu.vector_store %arg18[%swap3A_362], %swap3A_365 {strides = array<i32>} : memref<3200xf32, #tpu.memory_space<vmem>>, vector<16xf32>,
        %mul3A_366 = arith.constant 4 : i32
        %mul3A_367 = arith.muli %scan3A_235, %mul3A_366 : i32
        %add3A_368 = arith.constant 3 : i32
        %add3A_369 = arith.addi %mul3A_367, %add3A_368 : i32
        %mul3A_370 = arith.constant 16 : i32
        %mul3A_371 = arith.muli %add3A_369, %mul3A_370 : i32
        %get3A_372 = arith.index_cast %mul3A_371 : i32 to index
        %get3A_373 = tpu.vector_load %arg17[%get3A_372] {strides = array<i32>} : memref<3200xf32, #tpu.memory_space<vmem>>, vector<16xf32>,
        %get3A_374 = vector.shape_cast %get3A_373 : vector<16xf32> to vector<16xf32>
        %mul3A_375 = arith.constant 1.15740741E-5 : f32
        %mul3A_376 = vector.broadcast %mul3A_375 : f32 to vector<16xf32>
        %mul3A_377 = arith.mulf %get3A_374, %mul3A_376 : vector<16xf32>
        %get3A_378 = arith.index_cast %mul3A_371 : i32 to index
        %get3A_379 = tpu.vector_load %arg14[%get3A_378] {strides = array<i32>} : memref<3200xf32, #tpu.memory_space<vmem>>, vector<16xf32>,
        %get3A_380 = vector.shape_cast %get3A_379 : vector<16xf32> to vector<16xf32>
        %get3A_381 = arith.index_cast %mul3A_371 : i32 to index
        %get3A_382 = tpu.vector_load %arg16[%get3A_381] {strides = array<i32>} : memref<3200xf32, #tpu.memory_space<vmem>>, vector<16xf32>,
        %get3A_383 = vector.shape_cast %get3A_382 : vector<16xf32> to vector<16xf32>
        %mul3A_384 = arith.mulf %get3A_380, %get3A_383 : vector<16xf32>
        %get3A_385 = arith.index_cast %mul3A_371 : i32 to index
        %get3A_386 = tpu.vector_load %arg15[%get3A_385] {strides = array<i32>} : memref<3200xf32, #tpu.memory_space<vmem>>, vector<16xf32>,
        %get3A_387 = vector.shape_cast %get3A_386 : vector<16xf32> to vector<16xf32>
        %get3A_388 = arith.index_cast %mul3A_371 : i32 to index
        %get3A_389 = tpu.vector_load %arg20[%get3A_388] {strides = array<i32>} : memref<3200xf32, #tpu.memory_space<vmem>>, vector<16xf32>,
        %get3A_390 = vector.shape_cast %get3A_389 : vector<16xf32> to vector<16xf32>
        %get3A_391 = arith.index_cast %mul3A_371 : i32 to index
        %get3A_392 = tpu.vector_load %arg21[%get3A_391] {strides = array<i32>} : memref<3200xf32, #tpu.memory_space<vmem>>, vector<16xf32>,
        %get3A_393 = vector.shape_cast %get3A_392 : vector<16xf32> to vector<16xf32>
        %add3A_394 = arith.addf %get3A_390, %get3A_393 : vector<16xf32>
        %add3A_395 = arith.addf %add3A_394, %mul3A_377 : vector<16xf32>
        %mul3A_396 = arith.mulf %get3A_387, %add3A_395 : vector<16xf32>
        %add3A_397 = arith.addf %mul3A_384, %mul3A_396 : vector<16xf32>
        %swap3A_398 = arith.index_cast %mul3A_371 : i32 to index
        %swap3A_399 = tpu.vector_load %arg16[%swap3A_398] {strides = array<i32>} : memref<3200xf32, #tpu.memory_space<vmem>>, vector<16xf32>,
        %swap3A_400 = vector.shape_cast %swap3A_399 : vector<16xf32> to vector<16xf32>
        %swap3A_401 = vector.shape_cast %add3A_397 : vector<16xf32> to vector<16xf32>
        tpu.vector_store %arg16[%swap3A_398], %swap3A_401 {strides = array<i32>} : memref<3200xf32, #tpu.memory_space<vmem>>, vector<16xf32>,
        %get3A_402 = arith.index_cast %mul3A_371 : i32 to index
        %get3A_403 = tpu.vector_load %arg13[%get3A_402] {strides = array<i32>} : memref<3200xf32, #tpu.memory_space<vmem>>, vector<16xf32>,
        %get3A_404 = vector.shape_cast %get3A_403 : vector<16xf32> to vector<16xf32>
        %mul3A_405 = arith.mulf %add3A_397, %get3A_404 : vector<16xf32>
        %swap3A_406 = arith.index_cast %mul3A_371 : i32 to index
        %swap3A_407 = tpu.vector_load %arg18[%swap3A_406] {strides = array<i32>} : memref<3200xf32, #tpu.memory_space<vmem>>, vector<16xf32>,
        %swap3A_408 = vector.shape_cast %swap3A_407 : vector<16xf32> to vector<16xf32>
        %swap3A_409 = vector.shape_cast %mul3A_405 : vector<16xf32> to vector<16xf32>
        tpu.vector_store %arg18[%swap3A_406], %swap3A_409 {strides = array<i32>} : memref<3200xf32, #tpu.memory_space<vmem>>, vector<16xf32>,
      }
      %scan3A_230 = arith.constant 50 : i32
      %dma_start3A_231 = tpu.memref_slice %arg8[%scan3A_26, %mul3A_6] : memref<50x102400xf32, #tpu.memory_space<hbm>> -> memref<1x3200xf32, #tpu.memory_space<hbm>>
      %dma_start3A_232 = tpu.memref_squeeze %dma_start3A_231 : memref<1x3200xf32, #tpu.memory_space<hbm>> -> memref<3200xf32, #tpu.memory_space<hbm>>
      %dma_start3A_233 = tpu.memref_slice %arg8[%scan3A_26, %mul3A_6] : memref<50x102400xf32, #tpu.memory_space<hbm>> -> memref<1x3200xf32, #tpu.memory_space<hbm>>
      %dma_start3A_234 = tpu.memref_squeeze %dma_start3A_233 : memref<1x3200xf32, #tpu.memory_space<hbm>> -> memref<3200xf32, #tpu.memory_space<hbm>>
      tpu.enqueue_dma source(%arg16 : memref<3200xf32, #tpu.memory_space<vmem>>) target(%dma_start3A_234 : memref<3200xf32, #tpu.memory_space<hbm>>) target_semaphore(%arg40 : memref<!tpu.dma_semaphore, #tpu.memory_space<semaphore_mem>>)
    }
    %scan3A_21 = arith.constant 50 : i32
    %dma_wait3A = arith.constant 49 : i32
    %dma_wait3A_22 = tpu.memref_slice %arg8[%dma_wait3A, %mul3A_6] : memref<50x102400xf32, #tpu.memory_space<hbm>> -> memref<1x3200xf32, #tpu.memory_space<hbm>>
    %dma_wait3A_23 = tpu.memref_squeeze %dma_wait3A_22 : memref<1x3200xf32, #tpu.memory_space<hbm>> -> memref<3200xf32, #tpu.memory_space<hbm>>
    %dma_wait3A_24 = tpu.memref_slice %arg8[%dma_wait3A, %mul3A_6] : memref<50x102400xf32, #tpu.memory_space<hbm>> -> memref<1x3200xf32, #tpu.memory_space<hbm>>
    %dma_wait3A_25 = tpu.memref_squeeze %dma_wait3A_24 : memref<1x3200xf32, #tpu.memory_space<hbm>> -> memref<3200xf32, #tpu.memory_space<hbm>>
    tpu.wait_dma2 semaphore(%arg40 : memref<!tpu.dma_semaphore, #tpu.memory_space<semaphore_mem>>) src(%arg16 : memref<3200xf32, #tpu.memory_space<vmem>>) dst(%dma_wait3A_25 : memref<3200xf32, #tpu.memory_space<hbm>>)
    return
  }
}

module attributes {stable_mosaic.version = 14 : i64} {
  func.func @_mlp_body(%arg0: i32, %arg1: memref<3200x3xf32, #tpu.memory_space<vmem>>, %arg2: memref<256x3xf32, #tpu.memory_space<vmem>>, %arg3: memref<1x256xf32, #tpu.memory_space<vmem>>, %arg4: memref<256x256xf32, #tpu.memory_space<vmem>>, %arg5: memref<1x256xf32, #tpu.memory_space<vmem>>, %arg6: memref<2x256xf32, #tpu.memory_space<vmem>>, %arg7: memref<1x2xf32, #tpu.memory_space<vmem>>, %arg8: memref<2x128xf32, #tpu.memory_space<vmem>>, %arg9: memref<3200x1xf32, #tpu.memory_space<vmem>>, %arg10: memref<3200x1xf32, #tpu.memory_space<vmem>>, %arg11: memref<3200x1xf32, #tpu.memory_space<vmem>>) attributes {dimension_semantics = [#tpu.dimension_semantics<arbitrary>], iteration_bounds = array<i64: 32>, scalar_prefetch = 0 : i64, scratch_operands = 0 : i64, tpu.core_type = #tpu.core_type<tc>, window_params = [{transform_indices = @transform_0, window_bounds = array<i64: 3200, 3>}, {pipeline_mode = #tpu.pipeline_mode<synchronous>, transform_indices = @transform_1, window_bounds = array<i64: 256, 3>}, {pipeline_mode = #tpu.pipeline_mode<synchronous>, transform_indices = @transform_2, window_bounds = array<i64: 1, 256>}, {pipeline_mode = #tpu.pipeline_mode<synchronous>, transform_indices = @transform_3, window_bounds = array<i64: 256, 256>}, {pipeline_mode = #tpu.pipeline_mode<synchronous>, transform_indices = @transform_4, window_bounds = array<i64: 1, 256>}, {pipeline_mode = #tpu.pipeline_mode<synchronous>, transform_indices = @transform_5, window_bounds = array<i64: 2, 256>}, {pipeline_mode = #tpu.pipeline_mode<synchronous>, transform_indices = @transform_6, window_bounds = array<i64: 1, 2>}, {pipeline_mode = #tpu.pipeline_mode<synchronous>, transform_indices = @transform_7, window_bounds = array<i64: 2, 128>}, {transform_indices = @transform_8, window_bounds = array<i64: 3200, 1>}, {transform_indices = @transform_9, window_bounds = array<i64: 3200, 1>}, {transform_indices = @transform_10, window_bounds = array<i64: 3200, 1>}]} {
    %get3A = arith.constant 0 : index
    %get3A_0 = arith.constant 0 : index
    %get3A_1 = vector.load %arg8[%get3A, %get3A_0] : memref<2x128xf32, #tpu.memory_space<vmem>>, vector<1x3xf32>
    %mul3A = arith.constant 9.99999974E-6 : f32
    %mul3A_2 = vector.broadcast %mul3A : f32 to vector<1x3xf32>
    %mul3A_3 = arith.mulf %get3A_1, %mul3A_2 : vector<1x3xf32>
    %get3A_4 = arith.constant 1 : index
    %get3A_5 = arith.constant 0 : index
    %get3A_6 = vector.load %arg8[%get3A_4, %get3A_5] : memref<2x128xf32, #tpu.memory_space<vmem>>, vector<1x3xf32>
    %mul3A_7 = arith.constant 9.99999974E-6 : f32
    %mul3A_8 = vector.broadcast %mul3A_7 : f32 to vector<1x3xf32>
    %mul3A_9 = arith.mulf %get3A_6, %mul3A_8 : vector<1x3xf32>
    %mul3A_10 = arith.mulf %mul3A_3, %mul3A_3 : vector<1x3xf32>
    %sub3A = arith.subf %mul3A_9, %mul3A_10 : vector<1x3xf32>
    %max3A = arith.constant 0.000000e+00 : f32
    %max3A_11 = vector.broadcast %max3A : f32 to vector<1x3xf32>
    %max3A_12 = arith.maximumf %sub3A, %max3A_11 : vector<1x3xf32>
    %sqrt3A = math.sqrt %max3A_12 : vector<1x3xf32>
    %iota3A = tpu.iota {dimensions = array<i32: 1>} : vector<1x3xi32>
    %eq3A = arith.constant 0 : i32
    %eq3A_13 = vector.broadcast %eq3A : i32 to vector<1x3xi32>
    %eq3A_14 = arith.cmpi eq, %iota3A, %eq3A_13 : vector<1x3xi32>
    %jit3A = arith.constant 1.000000e+00 : f32
    %broadcast_in_dim3A = vector.broadcast %jit3A : f32 to vector<1x3xf32>
    %select_n3A = arith.select %eq3A_14, %broadcast_in_dim3A, %sqrt3A : vector<1x3xi1>, vector<1x3xf32>
    %get3A_15 = arith.constant 0 : index
    %get3A_16 = arith.constant 0 : index
    %get3A_17 = vector.load %arg2[%get3A_15, %get3A_16] : memref<256x3xf32, #tpu.memory_space<vmem>>, vector<256x3xf32>
    %div3A = vector.broadcast %select_n3A : vector<1x3xf32> to vector<256x3xf32>
    %div3A_18 = arith.divf %get3A_17, %div3A : vector<256x3xf32>
    %get3A_19 = arith.constant 0 : index
    %get3A_20 = arith.constant 0 : index
    %get3A_21 = vector.load %arg1[%get3A_19, %get3A_20] : memref<3200x3xf32, #tpu.memory_space<vmem>>, vector<3200x3xf32>
    %dot_general3A = arith.constant dense<0.000000e+00> : vector<3200x256xf32>
    %dot_general3A_22 = tpu.matmul %get3A_21, %div3A_18, %dot_general3A {dimension_numbers = #tpu.dot_dimension_numbers<[1], [1], [0], [0], [0, 0, 1, 0], [], []>, transpose_lhs_hint = false} : vector<3200x3xf32>, vector<256x3xf32>, vector<3200x256xf32> -> vector<3200x256xf32>
    %get3A_23 = arith.constant 0 : index
    %get3A_24 = arith.constant 0 : index
    %get3A_25 = vector.load %arg3[%get3A_23, %get3A_24] : memref<1x256xf32, #tpu.memory_space<vmem>>, vector<1x256xf32>
    %add3A = vector.broadcast %get3A_25 : vector<1x256xf32> to vector<3200x256xf32>
    %add3A_26 = arith.addf %dot_general3A_22, %add3A : vector<3200x256xf32>
    %max3A_27 = arith.constant 0.000000e+00 : f32
    %max3A_28 = vector.broadcast %max3A_27 : f32 to vector<3200x256xf32>
    %max3A_29 = arith.maximumf %add3A_26, %max3A_28 : vector<3200x256xf32>
    %get3A_30 = arith.constant 0 : index
    %get3A_31 = arith.constant 0 : index
    %get3A_32 = vector.load %arg4[%get3A_30, %get3A_31] : memref<256x256xf32, #tpu.memory_space<vmem>>, vector<256x256xf32>
    %dot_general3A_33 = arith.constant dense<0.000000e+00> : vector<3200x256xf32>
    %dot_general3A_34 = tpu.matmul %max3A_29, %get3A_32, %dot_general3A_33 {dimension_numbers = #tpu.dot_dimension_numbers<[1], [1], [0], [0], [0, 0, 1, 0], [], []>, transpose_lhs_hint = false} : vector<3200x256xf32>, vector<256x256xf32>, vector<3200x256xf32> -> vector<3200x256xf32>
    %get3A_35 = arith.constant 0 : index
    %get3A_36 = arith.constant 0 : index
    %get3A_37 = vector.load %arg5[%get3A_35, %get3A_36] : memref<1x256xf32, #tpu.memory_space<vmem>>, vector<1x256xf32>
    %add3A_38 = vector.broadcast %get3A_37 : vector<1x256xf32> to vector<3200x256xf32>
    %add3A_39 = arith.addf %dot_general3A_34, %add3A_38 : vector<3200x256xf32>
    %max3A_40 = arith.constant 0.000000e+00 : f32
    %max3A_41 = vector.broadcast %max3A_40 : f32 to vector<3200x256xf32>
    %max3A_42 = arith.maximumf %add3A_39, %max3A_41 : vector<3200x256xf32>
    %get3A_43 = arith.constant 0 : index
    %get3A_44 = arith.constant 0 : index
    %get3A_45 = vector.load %arg6[%get3A_43, %get3A_44] : memref<2x256xf32, #tpu.memory_space<vmem>>, vector<2x256xf32>
    %dot_general3A_46 = arith.constant dense<0.000000e+00> : vector<3200x2xf32>
    %dot_general3A_47 = tpu.matmul %max3A_42, %get3A_45, %dot_general3A_46 {dimension_numbers = #tpu.dot_dimension_numbers<[1], [1], [0], [0], [0, 0, 1, 0], [], []>, transpose_lhs_hint = false} : vector<3200x256xf32>, vector<2x256xf32>, vector<3200x2xf32> -> vector<3200x2xf32>
    %get3A_48 = arith.constant 0 : index
    %get3A_49 = arith.constant 0 : index
    %get3A_50 = vector.load %arg7[%get3A_48, %get3A_49] : memref<1x2xf32, #tpu.memory_space<vmem>>, vector<1x2xf32>
    %add3A_51 = vector.broadcast %get3A_50 : vector<1x2xf32> to vector<3200x2xf32>
    %add3A_52 = arith.addf %dot_general3A_47, %add3A_51 : vector<3200x2xf32>
    %mul3A_53 = arith.constant 3200 : i32
    %mul3A_54 = arith.muli %arg0, %mul3A_53 : i32
    %iota3A_55 = tpu.iota {dimensions = array<i32: 0>} : vector<3200x1xi32>
    %add3A_56 = vector.broadcast %mul3A_54 : i32 to vector<3200x1xi32>
    %add3A_57 = arith.addi %add3A_56, %iota3A_55 : vector<3200x1xi32>
    %lt3A = arith.constant 100000 : i32
    %lt3A_58 = vector.broadcast %lt3A : i32 to vector<3200x1xi32>
    %lt3A_59 = arith.cmpi slt, %add3A_57, %lt3A_58 : vector<3200x1xi32>
    %slice3A = vector.extract_strided_slice %add3A_52 {offsets = [0, 0], sizes = [3200, 1], strides = [1, 1]} : vector<3200x2xf32> to vector<3200x1xf32>
    %logistic3A = arith.negf %slice3A : vector<3200x1xf32>
    %logistic3A_60 = math.exp %logistic3A : vector<3200x1xf32>
    %logistic3A_61 = arith.constant 1.000000e+00 : f32
    %logistic3A_62 = vector.broadcast %logistic3A_61 : f32 to vector<3200x1xf32>
    %logistic3A_63 = arith.addf %logistic3A_62, %logistic3A_60 : vector<3200x1xf32>
    %logistic3A_64 = arith.divf %logistic3A_62, %logistic3A_63 : vector<3200x1xf32>
    %slice3A_65 = vector.extract_strided_slice %add3A_52 {offsets = [0, 1], sizes = [3200, 1], strides = [1, 1]} : vector<3200x2xf32> to vector<3200x1xf32>
    %sub3A_66 = arith.constant 3.000000e+00 : f32
    %sub3A_67 = vector.broadcast %sub3A_66 : f32 to vector<3200x1xf32>
    %sub3A_68 = arith.subf %slice3A_65, %sub3A_67 : vector<3200x1xf32>
    %logistic3A_69 = arith.negf %sub3A_68 : vector<3200x1xf32>
    %logistic3A_70 = math.exp %logistic3A_69 : vector<3200x1xf32>
    %logistic3A_71 = arith.constant 1.000000e+00 : f32
    %logistic3A_72 = vector.broadcast %logistic3A_71 : f32 to vector<3200x1xf32>
    %logistic3A_73 = arith.addf %logistic3A_72, %logistic3A_70 : vector<3200x1xf32>
    %logistic3A_74 = arith.divf %logistic3A_72, %logistic3A_73 : vector<3200x1xf32>
    %mul3A_75 = arith.constant 2.500000e-01 : f32
    %mul3A_76 = vector.broadcast %mul3A_75 : f32 to vector<3200x1xf32>
    %mul3A_77 = arith.mulf %logistic3A_64, %mul3A_76 : vector<3200x1xf32>
    %add3A_78 = arith.constant 5.000000e-03 : f32
    %add3A_79 = vector.broadcast %add3A_78 : f32 to vector<3200x1xf32>
    %add3A_80 = arith.addf %mul3A_77, %add3A_79 : vector<3200x1xf32>
    %mul3A_81 = arith.constant 6.250000e-02 : f32
    %mul3A_82 = vector.broadcast %mul3A_81 : f32 to vector<3200x1xf32>
    %mul3A_83 = arith.mulf %add3A_80, %mul3A_82 : vector<3200x1xf32>
    %mul3A_84 = arith.constant 1.200000e+00 : f32
    %mul3A_85 = vector.broadcast %mul3A_84 : f32 to vector<3200x1xf32>
    %mul3A_86 = arith.mulf %logistic3A_74, %mul3A_85 : vector<3200x1xf32>
    %jit3A_87 = arith.constant 0.000000e+00 : f32
    %jit3A_88 = arith.constant 0.949999988 : f32
    %max3A_89 = vector.broadcast %jit3A_87 : f32 to vector<3200x1xf32>
    %max3A_90 = arith.maximumf %max3A_89, %mul3A_86 : vector<3200x1xf32>
    %min3A = vector.broadcast %jit3A_88 : f32 to vector<3200x1xf32>
    %min3A_91 = arith.minimumf %min3A, %max3A_90 : vector<3200x1xf32>
    %jit3A_92 = arith.constant 0.000000e+00 : f32
    %broadcast_in_dim3A_93 = vector.broadcast %jit3A_92 : f32 to vector<3200x1xf32>
    %select_n3A_94 = arith.select %lt3A_59, %mul3A_83, %broadcast_in_dim3A_93 : vector<3200x1xi1>, vector<3200x1xf32>
    %swap3A = arith.constant 0 : index
    %swap3A_95 = arith.constant 0 : index
    %swap3A_96 = vector.load %arg9[%swap3A, %swap3A_95] : memref<3200x1xf32, #tpu.memory_space<vmem>>, vector<3200x1xf32>
    tpu.vector_store %arg9[%swap3A, %swap3A_95], %select_n3A_94 {strides = array<i32>} : memref<3200x1xf32, #tpu.memory_space<vmem>>, vector<3200x1xf32>,
    %jit3A_97 = arith.constant 0.000000e+00 : f32
    %broadcast_in_dim3A_98 = vector.broadcast %jit3A_97 : f32 to vector<3200x1xf32>
    %select_n3A_99 = arith.select %lt3A_59, %min3A_91, %broadcast_in_dim3A_98 : vector<3200x1xi1>, vector<3200x1xf32>
    %swap3A_100 = arith.constant 0 : index
    %swap3A_101 = arith.constant 0 : index
    %swap3A_102 = vector.load %arg10[%swap3A_100, %swap3A_101] : memref<3200x1xf32, #tpu.memory_space<vmem>>, vector<3200x1xf32>
    tpu.vector_store %arg10[%swap3A_100, %swap3A_101], %select_n3A_99 {strides = array<i32>} : memref<3200x1xf32, #tpu.memory_space<vmem>>, vector<3200x1xf32>,
    %sub3A_103 = arith.constant 1.000000e+00 : f32
    %sub3A_104 = vector.broadcast %sub3A_103 : f32 to vector<3200x1xf32>
    %sub3A_105 = arith.subf %sub3A_104, %min3A_91 : vector<3200x1xf32>
    %jit3A_106 = arith.constant 0.000000e+00 : f32
    %broadcast_in_dim3A_107 = vector.broadcast %jit3A_106 : f32 to vector<3200x1xf32>
    %select_n3A_108 = arith.select %lt3A_59, %sub3A_105, %broadcast_in_dim3A_107 : vector<3200x1xi1>, vector<3200x1xf32>
    %swap3A_109 = arith.constant 0 : index
    %swap3A_110 = arith.constant 0 : index
    %swap3A_111 = vector.load %arg11[%swap3A_109, %swap3A_110] : memref<3200x1xf32, #tpu.memory_space<vmem>>, vector<3200x1xf32>
    tpu.vector_store %arg11[%swap3A_109, %swap3A_110], %select_n3A_108 {strides = array<i32>} : memref<3200x1xf32, #tpu.memory_space<vmem>>, vector<3200x1xf32>,
    return
  }
  func.func @transform_0(%arg0: i32) -> (i32, i32) {
    %c0_i32 = arith.constant 0 : i32
    %c0_i32_0 = arith.constant 0 : i32
    return %arg0, %c0_i32 : i32, i32
  }
  func.func @transform_1(%arg0: i32) -> (i32, i32) {
    %c0_i32 = arith.constant 0 : i32
    %c0_i32_0 = arith.constant 0 : i32
    %c0_i32_1 = arith.constant 0 : i32
    return %c0_i32, %c0_i32_0 : i32, i32
  }
  func.func @transform_2(%arg0: i32) -> (i32, i32) {
    %c0_i32 = arith.constant 0 : i32
    %c0_i32_0 = arith.constant 0 : i32
    %c0_i32_1 = arith.constant 0 : i32
    return %c0_i32, %c0_i32_0 : i32, i32
  }
  func.func @transform_3(%arg0: i32) -> (i32, i32) {
    %c0_i32 = arith.constant 0 : i32
    %c0_i32_0 = arith.constant 0 : i32
    %c0_i32_1 = arith.constant 0 : i32
    return %c0_i32, %c0_i32_0 : i32, i32
  }
  func.func @transform_4(%arg0: i32) -> (i32, i32) {
    %c0_i32 = arith.constant 0 : i32
    %c0_i32_0 = arith.constant 0 : i32
    %c0_i32_1 = arith.constant 0 : i32
    return %c0_i32, %c0_i32_0 : i32, i32
  }
  func.func @transform_5(%arg0: i32) -> (i32, i32) {
    %c0_i32 = arith.constant 0 : i32
    %c0_i32_0 = arith.constant 0 : i32
    %c0_i32_1 = arith.constant 0 : i32
    return %c0_i32, %c0_i32_0 : i32, i32
  }
  func.func @transform_6(%arg0: i32) -> (i32, i32) {
    %c0_i32 = arith.constant 0 : i32
    %c0_i32_0 = arith.constant 0 : i32
    %c0_i32_1 = arith.constant 0 : i32
    return %c0_i32, %c0_i32_0 : i32, i32
  }
  func.func @transform_7(%arg0: i32) -> (i32, i32) {
    %c0_i32 = arith.constant 0 : i32
    %c0_i32_0 = arith.constant 0 : i32
    %c0_i32_1 = arith.constant 0 : i32
    return %c0_i32, %c0_i32_0 : i32, i32
  }
  func.func @transform_8(%arg0: i32) -> (i32, i32) {
    %c0_i32 = arith.constant 0 : i32
    %c0_i32_0 = arith.constant 0 : i32
    return %arg0, %c0_i32 : i32, i32
  }
  func.func @transform_9(%arg0: i32) -> (i32, i32) {
    %c0_i32 = arith.constant 0 : i32
    %c0_i32_0 = arith.constant 0 : i32
    return %arg0, %c0_i32 : i32, i32
  }
  func.func @transform_10(%arg0: i32) -> (i32, i32) {
    %c0_i32 = arith.constant 0 : i32
    %c0_i32_0 = arith.constant 0 : i32
    return %arg0, %c0_i32 : i32, i32
  }
}

module attributes {stable_mosaic.version = 14 : i64} {
  func.func @_std_body(%arg0: memref<3x100000xf32, #tpu.memory_space<vmem>>, %arg1: memref<2x128xf32, #tpu.memory_space<vmem>>) attributes {dimension_semantics = [], scalar_prefetch = 0 : i64, scratch_operands = 0 : i64, tpu.core_type = #tpu.core_type<tc>} {
    %get3A = arith.constant 0 : index
    %get3A_0 = arith.constant 0 : index
    %get3A_1 = vector.load %arg0[%get3A, %get3A_0] : memref<3x100000xf32, #tpu.memory_space<vmem>>, vector<3x100000xf32>
    %reduce_sum3A = arith.constant dense<0.000000e+00> : vector<3xf32>
    %reduce_sum3A_2 = vector.multi_reduction <add>, %get3A_1, %reduce_sum3A [1] : vector<3x100000xf32> to vector<3xf32>
    %mul3A = arith.mulf %get3A_1, %get3A_1 : vector<3x100000xf32>
    %reduce_sum3A_3 = arith.constant dense<0.000000e+00> : vector<3xf32>
    %reduce_sum3A_4 = vector.multi_reduction <add>, %mul3A, %reduce_sum3A_3 [1] : vector<3x100000xf32> to vector<3xf32>
    %stack3A = vector.shape_cast %reduce_sum3A_2 : vector<3xf32> to vector<1x3xf32>
    %stack3A_5 = vector.shape_cast %reduce_sum3A_4 : vector<3xf32> to vector<1x3xf32>
    %stack3A_6 = tpu.concatenate %stack3A, %stack3A_5 in 0 : vector<1x3xf32>, vector<1x3xf32> -> vector<2x3xf32>
    %jit3A = arith.constant 0 : i32
    %convert_element_type3A = arith.sitofp %jit3A : i32 to f32
    %pad3A = vector.broadcast %convert_element_type3A : f32 to vector<2x125xf32>
    %pad3A_7 = tpu.concatenate %stack3A_6, %pad3A in 1 : vector<2x3xf32>, vector<2x125xf32> -> vector<2x128xf32>
    %swap3A = arith.constant 0 : index
    %swap3A_8 = arith.constant 0 : index
    %swap3A_9 = vector.load %arg1[%swap3A, %swap3A_8] : memref<2x128xf32, #tpu.memory_space<vmem>>, vector<2x128xf32>
    tpu.vector_store %arg1[%swap3A, %swap3A_8], %pad3A_7 {strides = array<i32>} : memref<2x128xf32, #tpu.memory_space<vmem>>, vector<2x128xf32>,
    return
  }
}

</mosaic_0001>

<sc_bundles>
// kernel: kernel.5.cloned.1.call-start
scs
__scs_entry_jumppad:
0x0: {  	(pc) =	sbr.rel $0x88, $3  }
0x1: {  	(tag) =	ssettag $0x0;
	lr =	simm.s32 $0x1  }
0x2: {  	[smem:$0x3F98] =	sst lr;
	_ =	strace $0xD0000000  }
0x3: {  	_ = 	snop  }
0x4: {  	_ = 	snop  }
0x5: {  	_ = 	snop  }
0x6: {  	_ = 	snop  }
0x7: {  	_ = 	snop  }
__scs_overlays_trampoline_lowered:
0x8: {  	[smem:$0x3FA7] =	sst s0  }
0x9: {  	[smem:$0x3FA8] =	sst s1  }
0xa: {  	[smem:$0x3FA9] =	sst s2  }
0xb: {  	[smem:$0x3FAA] =	sst s3  }
0xc: {  	[smem:$0x3FAB] =	sst s4  }
0xd: {  	[smem:$0x3FAC] =	sst s5  }
0xe: {  	[smem:$0x3FAD] =	sst s6  }
0xf: {  	[smem:$0x3FAE] =	sst s7  }
0x10: {  	[smem:$0x3FAF] =	sst s8  }
0x11: {  	[smem:$0x3FB0] =	sst s9;
	s0 =	simm.s32 @!p0 $0x0  }
0x12: {  	s1 =	sld [smem:$0x3F96];
	s0 =	simm.s32 @p0 $0x1  }
0x13: {  	[smem:$0x3FB1] =	sst s0;
	s0 =	simm.s32 @!p1 $0x0  }
0x14: {  	s2 =	sld [smem:$0x3F95];
	s0 =	simm.s32 @p1 $0x1  }
0x15: {  	[smem:$0x3FB2] =	sst s0;
	s0 =	simm.s32 @!p2 $0x0  }
0x16: {  	s3 =	sld [smem:$0x3FDB];
	s0 =	simm.s32 @p2 $0x1  }
0x17: {  	s4 =	simm.s32 $0x1BF5;
	[smem:$0x3FB4] =	sst s0  }
0x18: {  	s0 =	sld [smem:$0x3F97];
	_ =	swait.ge [sflag:s4], $0x0  }
0x19: {  	s7 =	sld [smem:$0x3F98]  }
0x1a: {  	s8 =	sadd.s32 $0xFFFFE003, lr  }
0x1b: {  	s9 =	sadd.s32 $0xFFFFFEF7, lr;
	s5 =	simm.s32 $0xFFFFFFFF;
	p2 =	slt.u32 s8, $0xFFFFF086  }
0x1c: {  	p1 =	slt.u32 s9, $0xF7A;
	s5 =	simm.s32 @!p2 $0x0  }
0x1d: {  	s5 =	simm.s32 @p1 $0x1;
	p0 =	seq.s32 s7, s2  }
0x1e: {  	s7 =	smul.u32 @!p0 $0xF7A, s2;
	p2 =	seq.s32 @!p0 s5, $0x0  }
0x1f: {  	s9 =	smul.u32 $0xF7A, s1;
	s8 =	simm.s32 @!p0 $0x1BF5;
	p2 =	por !p2, p0  }
0x20: {  	[sflag:s8] =	ssyncset.s32 @!p0 $0xFFFFF086;
	s6 =	sadd.s32 @!p0 s3, s7;
	s7 =	simm.s32 @!p0 $0x108  }
0x21: {  	s3 =	sadd.s32 s3, s9;
	s6 =	sadd.s32 @!p0 $0x88, s6;
	s7 =	simm.s32 @p2 $0x1082  }
0x22: {  	[simem:s7], [sflag:s8] =	dma.local @!p0 [hbm:s6], $0xF7A  }
0x23: {  	s9 =	sor.u32 $0xD0000000, s2;
	s6 =	simm.s32 $0x108;
	_ =	swait.ge @!p0 [sflag:s8], $0x0  }
0x24: {  	s3 =	sadd.s32 $0x88, s3;
	s6 =	simm.s32 @!p1 $0x1082;
	[sflag:s4] =	ssyncset.s32 $0xFFFFF086  }
0x25: {  	[simem:s6], [sflag:s4] =	dma.local [hbm:s3], $0xF7A  }
0x26: {  	[smem:$0x3F98] =	sst s1;
	(tag) =	ssettag s2;
	_ =	strace s9  }
0x27: {  	s1 =	sld [smem:$0x3FA8]  }
0x28: {  	s2 =	sld [smem:$0x3FA9]  }
0x29: {  	s4 =	sld [smem:$0x3FAB]  }
0x2a: {  	p0 =	seq.s32 s5, $0x0;
	s5 =	sld [smem:$0x3FAC]  }
0x2b: {  	s6 =	sld [smem:$0x3FAD]  }
0x2c: {  	s7 =	sld [smem:$0x3FAE]  }
0x2d: {  	s3 =	simm.s32 $0x108;
	s8 =	sld [smem:$0x3FAF]  }
0x2e: {  	s3 =	simm.s32 @!p0 $0x1082;
	s9 =	sld [smem:$0x3FB0]  }
0x2f: {  	lr =	sadd.s32 s0, s3;
	s0 =	sld [smem:$0x3FA7]  }
0x30: {  	s3 =	sld [smem:$0x3FAA]  }
0x31: {  	[smem:$0x3FB3] =	sst s10  }
0x32: {  	s10 =	sld [smem:$0x3FB1];
	_ =	sdelay $0x3  }
0x33: {  	p0 =	seq.s32 s10, $0x1;
	s10 =	sld [smem:$0x3FB3];
	_ =	sdelay $0x3  }
0x34: {  	[smem:$0x3FB3] =	sst s10  }
0x35: {  	s10 =	sld [smem:$0x3FB2];
	_ =	sdelay $0x3  }
0x36: {  	p1 =	seq.s32 s10, $0x1;
	s10 =	sld [smem:$0x3FB3];
	_ =	sdelay $0x3  }
0x37: {  	[smem:$0x3FB3] =	sst s10  }
0x38: {  	s10 =	sld [smem:$0x3FB4]  }
0x39: {  	_ = 	snop;
	(pc) =	sbr.ind lr, $3  }
0x3a: {  	_ = 	snop  }
0x3b: {  	_ = 	snop  }
0x3c: {  	p2 =	seq.s32 s10, $0x1;
	s10 =	sld [smem:$0x3FB3]  }
0x3d: {  	_ =	shalt  }
0x3e: {  	_ =	shalt  }
0x3f: {  	_ =	shalt  }
0x40: {  	_ =	shalt  }
0x41: {  	_ =	shalt  }
0x42: {  	_ =	shalt  }
0x43: {  	_ =	shalt  }
0x44: {  	_ =	shalt  }
0x45: {  	_ =	shalt  }
0x46: {  	_ =	shalt  }
0x47: {  	_ =	shalt  }
0x48: {  	_ =	shalt  }
0x49: {  	_ =	shalt  }
0x4a: {  	_ =	shalt  }
0x4b: {  	_ =	shalt  }
0x4c: {  	_ =	shalt  }
0x4d: {  	_ =	shalt  }
0x4e: {  	_ =	shalt  }
0x4f: {  	_ =	shalt  }
0x50: {  	_ =	shalt  }
0x51: {  	_ =	shalt  }
0x52: {  	_ =	shalt  }
0x53: {  	_ =	shalt  }
0x54: {  	_ =	shalt  }
0x55: {  	_ =	shalt  }
0x56: {  	_ =	shalt  }
0x57: {  	_ =	shalt  }
0x58: {  	_ =	shalt  }
0x59: {  	_ =	shalt  }
0x5a: {  	_ =	shalt  }
0x5b: {  	_ =	shalt  }
0x5c: {  	_ =	shalt  }
0x5d: {  	_ =	shalt  }
0x5e: {  	_ =	shalt  }
0x5f: {  	_ =	shalt  }
0x60: {  	_ =	shalt  }
0x61: {  	_ =	shalt  }
0x62: {  	_ =	shalt  }
0x63: {  	_ =	shalt  }
0x64: {  	_ =	shalt  }
0x65: {  	_ =	shalt  }
0x66: {  	_ =	shalt  }
0x67: {  	_ =	shalt  }
0x68: {  	_ =	shalt  }
0x69: {  	_ =	shalt  }
0x6a: {  	_ =	shalt  }
0x6b: {  	_ =	shalt  }
0x6c: {  	_ =	shalt  }
0x6d: {  	_ =	shalt  }
0x6e: {  	_ =	shalt  }
0x6f: {  	_ =	shalt  }
0x70: {  	_ =	shalt  }
0x71: {  	_ =	shalt  }
0x72: {  	_ =	shalt  }
0x73: {  	_ =	shalt  }
0x74: {  	_ =	shalt  }
0x75: {  	_ =	shalt  }
0x76: {  	_ =	shalt  }
0x77: {  	_ =	shalt  }
0x78: {  	_ =	shalt  }
0x79: {  	_ =	shalt  }
0x7a: {  	_ =	shalt  }
0x7b: {  	_ =	shalt  }
0x7c: {  	_ =	shalt  }
0x7d: {  	_ =	shalt  }
0x7e: {  	_ =	shalt  }
0x7f: {  	_ =	shalt  }
0x80: {  	_ =	shalt  }
0x81: {  	_ =	shalt  }
0x82: {  	_ =	shalt  }
0x83: {  	_ =	shalt  }
0x84: {  	_ =	shalt  }
0x85: {  	_ =	shalt  }
0x86: {  	_ =	shalt  }
0x87: {  	_ =	shalt  }
.Lfunc_end0:
.L_simem_size_0:
called_computation_lowered:
.L_overlay_start_0:
0x88: {  	s2 =	sld [smem:$0x3FD9]  }
0x89: {  	s3 =	sld [smem:$0x3FFE];
	_ =	sdelay $0x1  }
0x8a: {  	s1 =	srdreg.scid  }
0x8b: {  	s0 =	sand.u32 $0x1, s1  }
0x8c: {  	s17 =	sshll.u32 s0, $0xA;
	s2 =	sadd.s32 s3, s2  }
0x8d: {  	s2 =	sadd.s32 s2, s17  }
0x8e: {  	[smem:$0x3FBF] =	sst s2  }
0x8f: {  	_ = 	snop  }
0x90: {  	s2 =	sld [smem:$0x3FD0];
	(tm) =	ssettm $0x1  }
0x91: {  	s18 =	sld [smem:$0x3FFB];
	_ =	sdelay $0x3  }
0x92: {  	_ =	strace s18  }
0x93: {  	s3 =	sld [smem:$0x3FFC];
	_ =	sdelay $0x3  }
0x94: {  	_ =	strace s3  }
0x95: {  	s3 =	sld [smem:$0x3FFD];
	_ =	sdelay $0x3  }
0x96: {  	_ =	strace s3  }
0x97: {  	_ =	strace $0x8FFFFFFF  }
0x98: {  	s19 =	sld [smem:$0x3FDB];
	_ =	sdelay $0x1  }
0x99: {  	s4 =	simm.s32 $_scs_section_size  }
0x9a: {  	s5 =	simm.s32 $_size__tile_overlayer_lowered;
	s6 =	simm.s32 $_tile_overlayer_lowered  }
0x9b: {  	s22 =	simm.s32 $0x1BFF;
	s21 =	sshll.u32 s6, $0x1;
	s3 =	sadd.s32 s4, s19  }
0x9c: {  	s7 =	simm.s32 $0x0;
	s20 =	sshll.u32 s5, $0x1;
	s5 =	sadd.s32 s21, s3  }
0x9d: {  	[timem:s7], [sflag:s22] =	dma.local [hbm:s5], s20  }
0x9e: {  	_ =	swait.ge [sflag:s22], s20  }
0x9f: {  	s4 =	ssub.s32 $0x0, s20;
	[sflag:s22] =	ssyncset.done $0x0  }
0xa0: {  	[sflag:s22] =	ssyncadd.s32 s4;
	_ =	sdelay $0x1  }
0xa1: {  	s23 =	simm.s32 $0x1B8B  }
0xa2: {  	_ =	swait.ge [sflag:s23], $0x1  }
0xa3: {  	[sflag:s23] =	ssyncset.done $0x0  }
0xa4: {  	s25 =	simm.s32 $0x1B8E;
	s24 =	sld [smem:$0x3FFE];
	[sflag:s23] =	ssyncadd.s32 $0xFFFFFFFF  }
0xa5: {  	s26 =	simm.s32 $execute0_lowered;
	[smem:$0x3FD2] =	sst s25  }
0xa6: {  	s5 =	sshll.u32 s26, $0x1;
	_ =	strace $0x80000046;
	[dreg:$0x1] =	wrdreg $0xFFFFFFFF  }
0xa7: {  	s28 =	simm.s32 $_size_execute0_lowered;
	s3 =	sadd.s32 s3, s5;
	[dreg:$0x0] =	wrdreg $0x0  }
0xa8: {  	s5 =	sshll.u32 s28, $0x1;
	[dreg:$0x2] =	wrdreg s3  }
0xa9: {  	[dreg:$0x3] =	wrdreg s5  }
0xaa: {  	[dreg:$0x4] =	wrdreg $0xC0  }
0xab: {  	_ =	task [dreg:s7], $0x5FFFF  }
0xac: {  	[dreg:$0x1] =	wrdreg $0xFFFFFFFF  }
0xad: {  	[dreg:$0x0] =	wrdreg $0x60  }
0xae: {  	[dreg:$0x2] =	wrdreg s24  }
0xaf: {  	[dreg:$0x3] =	wrdreg s2  }
0xb0: {  	[dreg:$0x4] =	wrdreg $0x0  }
0xb1: {  	[dreg:$0x5] =	wrdreg $0x19000  }
0xb2: {  	[dreg:$0x6] =	wrdreg $0x9  }
0xb3: {  	_ =	task.clear_ibuf [dreg:s7], $0x7FFFF;
	_ =	strace $0x90000046  }
0xb4: {  	s29 =	simm.s32 $0x9;
	_ =	strace $0x80000048  }
0xb5: {  	_ =	swait.ge [sflag:s29], $0x1  }
0xb6: {  	[sflag:s29] =	ssyncadd.s32 $0xFFFFFFFF  }
0xb7: {  	_ =	strace $0x90000048  }
0xb8: {  	_ =	sfence  }
0xb9: {  	s30 =	sld [smem:$0x0];
	_ =	sdelay $0x2  }
0xba: {  	s31 =	sshll.u32 s1, $0xD;
	s1 =	sshrl.u32 s1, $0x2  }
0xbb: {  	s3 =	sand.u32 $0x4000, s31;
	s1 =	sadd.s32 s1, s30  }
0xbc: {  	s0 =	sor.u32 s3, s0;
	s1 =	sshll.u32 s1, $0x11  }
0xbd: {  	s0 =	sor.u32 s1, s0  }
0xbe: {  	s0 =	sadd.s32 $0x8F2B, s0  }
0xbf: {  	[sflag:s0] =	ssyncadd.remote.s32 $0x1  }
0xc0: {  	_ =	sfence.sel $0xFFFF  }
0xc1: {  	[dreg:$0x0] =	wrdreg $0xFFFFFFFF;
	(pc) =	sbr.abs _section_cstart, $3  }
0xc2: {  	[dreg:$0x1] =	wrdreg $0xFFFFFFFF  }
0xc3: {  	_ =	task.clear_ibuf [dreg:s7], $0x2FFFF;
	_ =	strace $0x9FFFFFFF  }
0xc4: {  	(tm) =	ssettm $0x7FFFFFFF  }
0xc5: {  	_ =	shalt  }
tec
execute0_lowered:
.L_overlay_start_1:
0x0: {  	(tag) =	ssettag $0x1  }
0x1: {  	s0 =	srdreg.scid;
	s4 =	rddreg [dreg:$0x0]  }
0x2: {  	s6 =	rddreg [dreg:$0x1];
	s14 =	stileid.u32  }
0x3: {  	s1 =	rddreg [dreg:$0x2];
	s3 =	simm.s32 $0x0;
	s5 =	sand.u32 $0x1, s0  }
0x4: {  	s28 =	simm.s32 $0x400;
	[smem:$0x7FF] =	sst s3;
	s2 =	sshll.u32 s5, $0x4  }
0x5: {  	s11 =	sadd.s32 $0xAC00, s4;
	s18 =	sand.u32 $0x2, s0;
	s7 =	sor.u32 s14, s2  }
0x6: {  	s30 =	sshrl.u32 s0, $0x2;
	s0 =	simm.s32 $0xC;
	s10 =	smul.u32 $0xC400, s7  }
0x7: {  	s9 =	sxor.u32 $0x1, s5;
	s5 =	ssub.s32 $0x2, s5;
	s2 =	rddreg [dreg:$0x3]  }
0x8: {  	s12 =	sshll.u32 s9, $0x4;
	s13 =	sshrl.u32 s5, $0x1;
	s10 =	sshrl.u32 s10, $0x3  }
0x9: {  	s9 =	sor.u32 s18, s9;
	s8 =	smul.u32 $0xC80, s7;
	s15 =	sadd.s32 s6, s10  }
0xa: {  	s31 =	sadd.s32 $0x380, s10;
	s16 =	sadd.s32 s11, s10;
	[dreg:$0x5] =	wrdreg s15  }
0xb: {  	s5 =	ssub.s32 s5, s13;
	[dreg:$0x6] =	wrdreg s16;
	s17 =	sadd.s32 s6, s31  }
0xc: {  	s19 =	sadd.s32 $0x700, s10;
	s13 =	sadd.s32 s11, s31;
	[dreg:$0x7] =	wrdreg s17  }
0xd: {  	s12 =	sor.u32 s14, s12;
	s20 =	sadd.s32 s6, s19;
	[dreg:$0x8] =	wrdreg s13  }
0xe: {  	s21 =	sadd.s32 $0xA80, s10;
	s14 =	sadd.s32 s11, s19;
	[dreg:$0x9] =	wrdreg s20  }
0xf: {  	s23 =	sadd.s32 $0xE00, s10;
	s22 =	sadd.s32 s6, s21;
	[dreg:$0xa] =	wrdreg s14  }
0x10: {  	s25 =	sadd.s32 $0x1180, s10;
	s24 =	sadd.s32 s6, s23;
	[dreg:$0xb] =	wrdreg s22  }
0x11: {  	s10 =	sadd.s32 $0x1500, s10;
	s26 =	sadd.s32 s6, s25;
	[dreg:$0xd] =	wrdreg s24  }
0x12: {  	s12 =	smul.u32 $0xC80, s12;
	s6 =	sadd.s32 s6, s10;
	[dreg:$0xf] =	wrdreg s26  }
0x13: {  	s29 =	sadd.s32 s11, s10;
	s31 =	sshrl.u32 s8, $0x3;
	[dreg:$0x11] =	wrdreg s6  }
0x14: {  	s15 =	sadd.s32 $0xEDE00, s4;
	s13 =	sadd.s32 s11, s21;
	[dreg:$0x12] =	wrdreg s29  }
0x15: {  	s16 =	sshrl.u32 s12, $0x3;
	s14 =	sadd.s32 s11, s23;
	[dreg:$0xc] =	wrdreg s13  }
0x16: {  	s18 =	sadd.s32 s15, s16;
	[dreg:$0xe] =	wrdreg s14;
	s13 =	sadd.s32 s11, s25  }
0x17: {  	s19 =	sadd.s32 s15, s31;
	s6 =	sadd.s32 s31, s4;
	[dreg:$0x10] =	wrdreg s13  }
0x18: {  	s20 =	sadd.s32 $0x3BC00, s4;
	_ =	strace $0x80000047;
	[dreg:$0x15] =	wrdreg s18  }
0x19: {  	s24 =	smul.u32 $0x6400, s7;
	s26 =	sadd.s32 s8, s1;
	[dreg:$0x16] =	wrdreg s19  }
0x1a: {  	s13 =	sadd.s32 $0xEAC00, s4;
	s4 =	sadd.s32 $0xF1000, s4;
	[dreg:$0x17] =	wrdreg s20  }
0x1b: {  	s29 =	sadd.s32 s12, s1;
	s21 =	sadd.s32 $0x1600, s6;
	[dreg:$0x18] =	wrdreg s4  }
0x1c: {  	s7 =	simm.s32 $0x10300;
	s22 =	sadd.s32 $0x4800, s6;
	[dreg:$0x19] =	wrdreg s21  }
0x1d: {  	s15 =	simm.s32 $0x13B00;
	s23 =	sadd.s32 $0x7A00, s6;
	[dreg:$0x1a] =	wrdreg s22  }
0x1e: {  	s25 =	sor.u32 $0x4, s9;
	s6 =	simm.s32 $0xCB00;
	[dreg:$0x1b] =	wrdreg s23  }
0x1f: {  	s11 =	simm.s32 $0x3;
	s14 =	simm.s32 $0x1C00;
	[dreg:$0x1c] =	wrdreg s24  }
0x20: {  	s17 =	sadd.s32 s13, s31;
	s10 =	sadd.s32 s13, s16;
	[dreg:$0x1d] =	wrdreg s25  }
0x21: {  	[dreg:$0x1e] =	wrdreg s26;
	s25 =	sadd.s32 s8, s2;
	s26 =	sadd.s32 s12, s2  }
0x22: {  	[dreg:$0x1f] =	wrdreg s29;
	s31 =	smax.u32 s5, $0x1;
	s4 =	simm.s32 $0xAF00  }
0x23: {  	s5 =	simm.s32 $0xE700;
	s12 =	simm.s32 $0x5;
	s16 =	simm.s32 $0x8  }
0x24: {  	s18 =	simm.s32 $0x6;
	s19 =	simm.s32 $0x15700;
	s20 =	simm.s32 $0x11F00  }
0x25: {  	s21 =	simm.s32 $0x9;
	s22 =	simm.s32 $0x7;
	[dreg:$0x13] =	wrdreg s17  }
0x26: {  	s23 =	simm.s32 $0x9600;
	s13 =	simm.s32 $0x0;
	[dreg:$0x14] =	wrdreg s10  }
0x27: {  	v0 =	vimm.f32 $0.0e+00;
	[smem:$0x7FD] =	sst s31;
	s10 =	simm.s32 $0x80;
	s17 =	simm.s32 $0x4  }
.LBB2_1:
0x28: {  	[smem:$0x7FC] =	sst s13  }
0x29: {  	s8 =	rddreg [dreg:$0x19];
	s9 =	simm.s32 $0x3200  }
0x2a: {  	[tilespmem:s9], [sflag:$0xC] =	stream.linear.gather [hbm4b:s8+s3], $0xC80, $0x38;
	[tilespmem:$0x17300] =	vst v63  }
0x2b: {  	_ =	swait.ge [sflag:s0], $0xC80  }
0x2c: {  	[sflag:s0] =	ssyncset.done $0x0  }
0x2d: {  	s24 =	simm.s32 $0x3E80;
	s13 =	rddreg [dreg:$0x1a];
	[sflag:s0] =	ssyncadd.s32 $0xFFFFF380  }
0x2e: {  	[tilespmem:s24], [sflag:$0xC] =	stream.linear.gather [hbm4b:s13+s3], $0xC80, $0x38;
	[tilespmem:$0x17300] =	vst v63  }
0x2f: {  	_ =	swait.ge [sflag:s0], $0xC80  }
0x30: {  	[sflag:s0] =	ssyncset.done $0x0  }
0x31: {  	s31 =	simm.s32 $0x4B00;
	s29 =	rddreg [dreg:$0x1b];
	[sflag:s0] =	ssyncadd.s32 $0xFFFFF380  }
0x32: {  	[tilespmem:s31], [sflag:$0xC] =	stream.linear.gather [hbm4b:s29+s3], $0xC80, $0x38;
	[tilespmem:$0x17300] =	vst v63  }
0x33: {  	_ =	swait.ge [sflag:s0], $0xC80  }
0x34: {  	[sflag:s0] =	ssyncset.done $0x0  }
0x35: {  	s8 =	simm.s32 $0x0;
	s13 =	simm.s32 $0x40;
	[sflag:s0] =	ssyncadd.s32 $0xFFFFF380  }
.LBB2_2:
0x36: {  	p0 =	seq.s32 s13, $0x31C0;
	[tilespmem:s8+$0x9600] =	vst v0;
	s24 =	smov.u32 s13;
	s13 =	sadd.s32 $0x40, s13  }
.Ltmp0:
0x37: {  	[tilespmem:s8+$0xA280] =	vst v0;
	(pc) =	sbr.rel @!p0 .LBB2_2-.Ltmp0, $3  }
0x38: {  	[tilespmem:s8+$0x5780] =	vst v0  }
0x39: {  	[tilespmem:s8+$0x7080] =	vst v0;
	_ =	sdelay $0x1  }
0x3a: {  	s8 =	sshra.s32 s24, $0x2  }
0x3b: {  	[tilespmem:s8+$0x9600] =	vst v0  }
0x3c: {  	[tilespmem:s8+$0xA280] =	vst v0  }
0x3d: {  	[tilespmem:s8+$0x5780] =	vst v0  }
0x3e: {  	[tilespmem:s8+$0x7080] =	vst v0;
	s24 =	simm.s32 $0x0  }
.LBB2_4:
0x3f: {  	s8 =	rddreg [dreg:$0x5]  }
0x40: {  	[tilespmem:s4], [sflag:$0x3] =	stream.linear.gather [hbm4b:s8+s3], $0x1C00, $0x38;
	[tilespmem:$0x17300] =	vst v63  }
0x41: {  	s9 =	rddreg [dreg:$0x6]  }
0x42: {  	[tilespmem:s5], [sflag:$0x5] =	stream.linear.gather [hbm4b:s9+s3], $0x1C00, $0x38;
	[tilespmem:$0x17300] =	vst v63  }
0x43: {  	s13 =	rddreg [dreg:$0x7]  }
0x44: {  	[tilespmem:s6], [sflag:$0x4] =	stream.linear.gather [hbm4b:s13+s3], $0x1C00, $0x38;
	[tilespmem:$0x17300] =	vst v63  }
0x45: {  	s13 =	sshrl.u32 s24, $0x3  }
0x46: {  	s9 =	rddreg [dreg:$0x8];
	s8 =	smul.u32 $0xC8000, s13  }
0x47: {  	[tilespmem:s7], [sflag:$0x6] =	stream.linear.gather [hbm4b:s9+s3], $0x1C00, $0x38;
	[tilespmem:$0x17300] =	vst v63  }
0x48: {  	s13 =	sshll.u32 s24, $0x7;
	s9 =	rddreg [dreg:$0x1c]  }
0x49: {  	s13 =	sand.u32 $0x380, s13;
	s8 =	sadd.s32 s9, s8  }
0x4a: {  	s8 =	sor.u32 s13, s8  }
0x4b: {  	s9 =	rddreg [dreg:$0x17];
	s29 =	sshrl.u32 s8, $0x3  }
0x4c: {  	s13 =	simm.s32 $0x6400;
	s8 =	sadd.s32 s9, s29  }
0x4d: {  	[tilespmem:s13], [sflag:$0xA] =	stream.strided.gather [hbm4b:s8+s10], $0xC80, s28, s10, $0x38;
	[tilespmem:$0x17300] =	vst v63  }
0x4e: {  	s10 =	rddreg [dreg:$0x1e];
	s13 =	simm.s32 $0x7080  }
0x4f: {  	[spmem:s10] =	stream.linear.scatter [tilespmem:s13], [sflag:$0xC], $0xC80, $0x38;
	[tilespmem:$0x17300] =	vst v63  }
0x50: {  	_ =	swait.ge [sflag:s0], $0xC80  }
0x51: {  	[sflag:s0] =	ssyncset.done $0x0  }
0x52: {  	s28 =	rddreg [dreg:$0x13];
	[sflag:s0] =	ssyncadd.s32 $0xFFFFF380  }
0x53: {  	[hbm4b:s28+s3] =	stream.linear.scatter [tilespmem:s13], [sflag:$0xC], $0xC80, $0x38;
	[tilespmem:$0x17300] =	vst v63  }
0x54: {  	_ =	swait.ge [sflag:s0], $0xC80  }
0x55: {  	p0 =	seq.s32 s24, $0x0;
	[sflag:s0] =	ssyncset.done $0x0  }
0x56: {  	s8 =	simm.s32 @p0 $0xA280;
	s13 =	simm.s32 @p0 $0xC;
	[sflag:s0] =	ssyncadd.s32 $0xFFFFF380  }
0x57: {  	[spmem:s25] =	stream.linear.scatter @p0 [tilespmem:s8], [sflag:$0xC], $0xC80, $0x38;
	[tilespmem:$0x17300] =	vst v63  }
0x58: {  	_ =	swait.ge @p0 [sflag:s13], $0xC80  }
0x59: {  	[sflag:s13] =	ssyncset.done @p0 $0x0  }
0x5a: {  	[sflag:s13] =	ssyncadd.s32 @p0 $0xFFFFF380;
	s13 =	simm.s32 @!p0 $0x100000  }
0x5b: {  	[spmem:s26] =	stream.linear.scatter @p0 [tilespmem:s8], [sflag:$0xC], $0xC80, $0x38;
	[tilespmem:$0x17300] =	vst v63  }
0x5c: {  	s31 =	simm.s32 @!p0 $0x0;
	[smem:s13], [sflag:$0x0] =	smem.add.s32 @!p0 $0x0  }
0x5d: {  	_ =	swait.done @!p0 [sflag:s31]  }
0x5e: {  	s8 =	ssyncread @!p0 [sflag:$0x0]  }
0x5f: {  	s9 =	stileid.u32  }
0x60: {  	s28 =	sshll.u32 @!p0 s9, $0x6;
	s9 =	rddreg [dreg:$0x1d]  }
0x61: {  	s9 =	sshll.u32 @!p0 s9, $0xE;
	s8 =	sadd.s32 @!p0 s30, s8  }
0x62: {  	s28 =	sor.u32 @!p0 s9, s28;
	s8 =	sshll.u32 @!p0 s8, $0x11  }
0x63: {  	[sflag:s31] =	ssyncset.s32 @!p0 $0x0;
	s8 =	sor.u32 @!p0 s8, s28  }
0x64: {  	[sflag:s31] =	ssyncset.done @!p0 $0x0;
	s8 =	sor.u32 @!p0 $0x1C01, s8  }
0x65: {  	s9 =	simm.s32 @!p0 $0xA280;
	[sflag:s8] =	ssyncadd.remote.s32 @!p0 $0x1;
	s8 =	simm.s32 @!p0 $0xC  }
0x66: {  	[spmem:s25] =	stream.linear.scatter @!p0 [tilespmem:s9], [sflag:$0xC], $0xC80, $0x38;
	[tilespmem:$0x17300] =	vst v63  }
0x67: {  	_ =	swait.ge @!p0 [sflag:s8], $0xC80  }
0x68: {  	[sflag:s8] =	ssyncset.done @!p0 $0x0  }
0x69: {  	[sflag:s8] =	ssyncadd.s32 @!p0 $0xFFFFF380  }
0x6a: {  	[spmem:s26] =	stream.linear.scatter @!p0 [tilespmem:s9], [sflag:$0xC], $0xC80, $0x38;
	[tilespmem:$0x17300] =	vst v63  }
0x6b: {  	_ =	swait.ge @!p0 [sflag:s8], $0xC80  }
0x6c: {  	[sflag:s8] =	ssyncset.done @!p0 $0x0  }
0x6d: {  	s9 =	simm.s32 @!p0 $0x1;
	[sflag:s8] =	ssyncadd.s32 @!p0 $0xFFFFF380  }
0x6e: {  	_ =	swait.ge @!p0 [sflag:s9], $0x1  }
0x6f: {  	[sflag:s9] =	ssyncset.done @!p0 $0x0  }
0x70: {  	s10 =	rddreg [dreg:$0x14];
	[sflag:s9] =	ssyncadd.s32 @!p0 $0xFFFFFFFF;
	s9 =	simm.s32 @!p0 $0x7D00  }
0x71: {  	[tilespmem:s9], [sflag:$0xC] =	stream.linear.gather @!p0 [hbm4b:s10+s31], $0xC80, $0x38;
	[tilespmem:$0x17300] =	vst v63  }
0x72: {  	_ =	swait.ge [sflag:s0], $0xC80  }
0x73: {  	[sflag:s0] =	ssyncset.done $0x0  }
0x74: {  	s9 =	simm.s32 @p0 $0xA280;
	s10 =	rddreg [dreg:$0x1f];
	[sflag:s0] =	ssyncadd.s32 $0xFFFFF380  }
0x75: {  	[spmem:s10] =	stream.linear.scatter [tilespmem:s9], [sflag:$0xC], $0xC80, $0x38;
	[tilespmem:$0x17300] =	vst v63  }
0x76: {  	_ =	swait.ge [sflag:s0], $0xC80  }
0x77: {  	[sflag:s0] =	ssyncset.done $0x0  }
0x78: {  	[sflag:s0] =	ssyncadd.s32 $0xFFFFF380  }
0x79: {  	[bflag:$0x0] =	sbarrier.arrive $0xFFFF  }
0x7a: {  	_ =	swait.ge [sflag:s11], $0x1C00  }
0x7b: {  	[sflag:s11] =	ssyncset.done $0x0  }
0x7c: {  	[sflag:s11] =	ssyncadd.s32 $0xFFFFE400  }
0x7d: {  	_ =	swait.ge [sflag:s12], $0x1C00  }
0x7e: {  	[sflag:s12] =	ssyncset.done $0x0  }
0x7f: {  	[sflag:s12] =	ssyncadd.s32 $0xFFFFE400  }
0x80: {  	[tilespmem:s15], [sflag:$0x8] =	stream.indirect.gather [spmem:s1], $0x1, s4, s14, $0xb8;
	[tilespmem:$0x17300] =	vst v63  }
0x81: {  	_ =	swait.ge [sflag:s16], $0x1C00  }
0x82: {  	[sflag:s16] =	ssyncset.done $0x0  }
0x83: {  	[sflag:s16] =	ssyncadd.s32 $0xFFFFE400  }
0x84: {  	[spmem:s2] =	stream.indirect.scatter.add.f32 [tilespmem:s15], [sflag:$0x9], $0x1, s5, s14, $0xb8;
	[tilespmem:$0x17300] =	vst v63  }
0x85: {  	_ =	swait.ge [sflag:s17], $0x1C00  }
0x86: {  	[sflag:s17] =	ssyncset.done $0x0  }
0x87: {  	[sflag:s17] =	ssyncadd.s32 $0xFFFFE400  }
0x88: {  	_ =	swait.ge [sflag:s18], $0x1C00  }
0x89: {  	[sflag:s18] =	ssyncset.done $0x0  }
0x8a: {  	[sflag:s18] =	ssyncadd.s32 $0xFFFFE400  }
0x8b: {  	[tilespmem:s19], [sflag:$0x8] =	stream.indirect.gather [spmem:s1], $0x1, s6, s14, $0xb8;
	[tilespmem:$0x17300] =	vst v63  }
0x8c: {  	s10 =	rddreg [dreg:$0x9]  }
0x8d: {  	[tilespmem:s4], [sflag:$0x3] =	stream.linear.gather [hbm4b:s10+s3], $0x1C00, $0x38;
	[tilespmem:$0x17300] =	vst v63  }
0x8e: {  	s10 =	rddreg [dreg:$0xa]  }
0x8f: {  	[tilespmem:s20], [sflag:$0x7] =	stream.linear.gather [hbm4b:s10+s3], $0x1C00, $0x38;
	[tilespmem:$0x17300] =	vst v63  }
0x90: {  	_ =	swait.ge [sflag:s16], $0x1C00  }
0x91: {  	[sflag:s16] =	ssyncset.done $0x0  }
0x92: {  	[sflag:s16] =	ssyncadd.s32 $0xFFFFE400  }
0x93: {  	_ =	swait.ge [sflag:s21], $0x1C00  }
0x94: {  	[sflag:s21] =	ssyncset.done $0x0  }
0x95: {  	[sflag:s21] =	ssyncadd.s32 $0xFFFFE400  }
0x96: {  	[spmem:s2] =	stream.indirect.scatter.add.f32 [tilespmem:s19], [sflag:$0x9], $0x1, s7, s14, $0xb8;
	[tilespmem:$0x17300] =	vst v63  }
0x97: {  	_ =	swait.ge [sflag:s11], $0x1C00  }
0x98: {  	[sflag:s11] =	ssyncset.done $0x0  }
0x99: {  	[sflag:s11] =	ssyncadd.s32 $0xFFFFE400  }
0x9a: {  	_ =	swait.ge [sflag:s22], $0x1C00  }
0x9b: {  	[sflag:s22] =	ssyncset.done $0x0  }
0x9c: {  	[sflag:s22] =	ssyncadd.s32 $0xFFFFE400  }
0x9d: {  	[tilespmem:s15], [sflag:$0x8] =	stream.indirect.gather [spmem:s1], $0x1, s4, s14, $0xb8;
	[tilespmem:$0x17300] =	vst v63  }
0x9e: {  	s10 =	rddreg [dreg:$0xb]  }
0x9f: {  	[tilespmem:s6], [sflag:$0x4] =	stream.linear.gather [hbm4b:s10+s3], $0x1C00, $0x38;
	[tilespmem:$0x17300] =	vst v63  }
0xa0: {  	s10 =	rddreg [dreg:$0xc]  }
0xa1: {  	[tilespmem:s5], [sflag:$0x5] =	stream.linear.gather [hbm4b:s10+s3], $0x1C00, $0x38;
	[tilespmem:$0x17300] =	vst v63  }
0xa2: {  	_ =	swait.ge [sflag:s16], $0x1C00  }
0xa3: {  	[sflag:s16] =	ssyncset.done $0x0  }
0xa4: {  	[sflag:s16] =	ssyncadd.s32 $0xFFFFE400  }
0xa5: {  	_ =	swait.ge [sflag:s21], $0x1C00  }
0xa6: {  	[sflag:s21] =	ssyncset.done $0x0  }
0xa7: {  	[sflag:s21] =	ssyncadd.s32 $0xFFFFE400  }
0xa8: {  	[spmem:s2] =	stream.indirect.scatter.add.f32 [tilespmem:s15], [sflag:$0x9], $0x1, s20, s14, $0xb8;
	[tilespmem:$0x17300] =	vst v63  }
0xa9: {  	_ =	swait.ge [sflag:s17], $0x1C00  }
0xaa: {  	[sflag:s17] =	ssyncset.done $0x0  }
0xab: {  	[sflag:s17] =	ssyncadd.s32 $0xFFFFE400  }
0xac: {  	_ =	swait.ge [sflag:s12], $0x1C00  }
0xad: {  	[sflag:s12] =	ssyncset.done $0x0  }
0xae: {  	[sflag:s12] =	ssyncadd.s32 $0xFFFFE400  }
0xaf: {  	[tilespmem:s19], [sflag:$0x8] =	stream.indirect.gather [spmem:s1], $0x1, s6, s14, $0xb8;
	[tilespmem:$0x17300] =	vst v63  }
0xb0: {  	s10 =	rddreg [dreg:$0xd]  }
0xb1: {  	[tilespmem:s4], [sflag:$0x3] =	stream.linear.gather [hbm4b:s10+s3], $0x1C00, $0x38;
	[tilespmem:$0x17300] =	vst v63  }
0xb2: {  	s10 =	rddreg [dreg:$0xe]  }
0xb3: {  	[tilespmem:s7], [sflag:$0x6] =	stream.linear.gather [hbm4b:s10+s3], $0x1C00, $0x38;
	[tilespmem:$0x17300] =	vst v63  }
0xb4: {  	_ =	swait.ge [sflag:s16], $0x1C00  }
0xb5: {  	[sflag:s16] =	ssyncset.done $0x0  }
0xb6: {  	[sflag:s16] =	ssyncadd.s32 $0xFFFFE400  }
0xb7: {  	_ =	swait.ge [sflag:s21], $0x1C00  }
0xb8: {  	[sflag:s21] =	ssyncset.done $0x0  }
0xb9: {  	[sflag:s21] =	ssyncadd.s32 $0xFFFFE400  }
0xba: {  	[spmem:s2] =	stream.indirect.scatter.add.f32 [tilespmem:s19], [sflag:$0x9], $0x1, s5, s14, $0xb8;
	[tilespmem:$0x17300] =	vst v63  }
0xbb: {  	_ =	swait.ge [sflag:s11], $0x1C00  }
0xbc: {  	[sflag:s11] =	ssyncset.done $0x0  }
0xbd: {  	[sflag:s11] =	ssyncadd.s32 $0xFFFFE400  }
0xbe: {  	_ =	swait.ge [sflag:s18], $0x1C00  }
0xbf: {  	[sflag:s18] =	ssyncset.done $0x0  }
0xc0: {  	[sflag:s18] =	ssyncadd.s32 $0xFFFFE400  }
0xc1: {  	[tilespmem:s15], [sflag:$0x8] =	stream.indirect.gather [spmem:s1], $0x1, s4, s14, $0xb8;
	[tilespmem:$0x17300] =	vst v63  }
0xc2: {  	s10 =	rddreg [dreg:$0xf]  }
0xc3: {  	[tilespmem:s6], [sflag:$0x4] =	stream.linear.gather [hbm4b:s10+s3], $0x1C00, $0x38;
	[tilespmem:$0x17300] =	vst v63  }
0xc4: {  	s10 =	rddreg [dreg:$0x10]  }
0xc5: {  	[tilespmem:s20], [sflag:$0x7] =	stream.linear.gather [hbm4b:s10+s3], $0x1C00, $0x38;
	[tilespmem:$0x17300] =	vst v63  }
0xc6: {  	_ =	swait.ge [sflag:s16], $0x1C00  }
0xc7: {  	[sflag:s16] =	ssyncset.done $0x0  }
0xc8: {  	[sflag:s16] =	ssyncadd.s32 $0xFFFFE400  }
0xc9: {  	_ =	swait.ge [sflag:s21], $0x1C00  }
0xca: {  	[sflag:s21] =	ssyncset.done $0x0  }
0xcb: {  	[sflag:s21] =	ssyncadd.s32 $0xFFFFE400  }
0xcc: {  	[spmem:s2] =	stream.indirect.scatter.add.f32 [tilespmem:s15], [sflag:$0x9], $0x1, s7, s14, $0xb8;
	[tilespmem:$0x17300] =	vst v63  }
0xcd: {  	_ =	swait.ge [sflag:s17], $0x1C00  }
0xce: {  	[sflag:s17] =	ssyncset.done $0x0  }
0xcf: {  	[sflag:s17] =	ssyncadd.s32 $0xFFFFE400  }
0xd0: {  	_ =	swait.ge [sflag:s22], $0x1C00  }
0xd1: {  	[sflag:s22] =	ssyncset.done $0x0  }
0xd2: {  	[sflag:s22] =	ssyncadd.s32 $0xFFFFE400  }
0xd3: {  	[tilespmem:s19], [sflag:$0x8] =	stream.indirect.gather [spmem:s1], $0x1, s6, s14, $0xb8;
	[tilespmem:$0x17300] =	vst v63  }
0xd4: {  	s10 =	rddreg [dreg:$0x11]  }
0xd5: {  	[tilespmem:s4], [sflag:$0x3] =	stream.linear.gather [hbm4b:s10+s3], $0x1C00, $0x38;
	[tilespmem:$0x17300] =	vst v63  }
0xd6: {  	s10 =	rddreg [dreg:$0x12]  }
0xd7: {  	[tilespmem:s5], [sflag:$0x5] =	stream.linear.gather [hbm4b:s10+s3], $0x1C00, $0x38;
	[tilespmem:$0x17300] =	vst v63  }
0xd8: {  	_ =	swait.ge [sflag:s16], $0x1C00  }
0xd9: {  	[sflag:s16] =	ssyncset.done $0x0  }
0xda: {  	[sflag:s16] =	ssyncadd.s32 $0xFFFFE400  }
0xdb: {  	_ =	swait.ge [sflag:s21], $0x1C00  }
0xdc: {  	[sflag:s21] =	ssyncset.done $0x0  }
0xdd: {  	[sflag:s21] =	ssyncadd.s32 $0xFFFFE400  }
0xde: {  	[spmem:s2] =	stream.indirect.scatter.add.f32 [tilespmem:s19], [sflag:$0x9], $0x1, s20, s14, $0xb8;
	[tilespmem:$0x17300] =	vst v63  }
0xdf: {  	_ =	swait.ge [sflag:s11], $0x1C00  }
0xe0: {  	[sflag:s11] =	ssyncset.done $0x0  }
0xe1: {  	[sflag:s11] =	ssyncadd.s32 $0xFFFFE400  }
0xe2: {  	_ =	swait.ge [sflag:s12], $0x1C00  }
0xe3: {  	[sflag:s12] =	ssyncset.done $0x0  }
0xe4: {  	[sflag:s12] =	ssyncadd.s32 $0xFFFFE400  }
0xe5: {  	[tilespmem:s15], [sflag:$0x8] =	stream.indirect.gather [spmem:s1], $0x1, s4, s14, $0xb8;
	[tilespmem:$0x17300] =	vst v63  }
0xe6: {  	_ =	swait.ge [sflag:s16], $0x1C00  }
0xe7: {  	[sflag:s16] =	ssyncset.done $0x0  }
0xe8: {  	[sflag:s16] =	ssyncadd.s32 $0xFFFFE400  }
0xe9: {  	_ =	swait.ge [sflag:s21], $0x1C00  }
0xea: {  	[sflag:s21] =	ssyncset.done $0x0  }
0xeb: {  	[sflag:s21] =	ssyncadd.s32 $0xFFFFE400  }
0xec: {  	[spmem:s2] =	stream.indirect.scatter.add.f32 [tilespmem:s15], [sflag:$0x9], $0x1, s5, s14, $0xb8;
	[tilespmem:$0x17300] =	vst v63  }
0xed: {  	_ =	swait.ge [sflag:s21], $0x1C00  }
0xee: {  	[sflag:s21] =	ssyncset.done $0x0  }
0xef: {  	[sflag:s21] =	ssyncadd.s32 $0xFFFFE400  }
0xf0: {  	[bflag:$0x0] =	sbarrier.arrive $0xFFFF  }
0xf1: {  	[tilespmem:s23], [sflag:$0xC] =	stream.linear.gather [spmem:s26], $0xC80, $0x38;
	[tilespmem:$0x17300] =	vst v63  }
0xf2: {  	_ =	swait.ge [sflag:s0], $0xC80  }
0xf3: {  	[sflag:s0] =	ssyncset.done $0x0  }
0xf4: {  	s10 =	rddreg [dreg:$0x15];
	[sflag:s0] =	ssyncadd.s32 $0xFFFFF380  }
0xf5: {  	[hbm4b:s10+s3] =	stream.linear.scatter [tilespmem:s23], [sflag:$0xC], $0xC80, $0x38;
	[tilespmem:$0x17300] =	vst v63  }
0xf6: {  	_ =	swait.ge [sflag:s0], $0xC80  }
0xf7: {  	[sflag:s0] =	ssyncset.done $0x0  }
0xf8: {  	s9 =	simm.s32 @p0 $0x8980;
	[sflag:s0] =	ssyncadd.s32 $0xFFFFF380  }
0xf9: {  	[tilespmem:s9], [sflag:$0xC] =	stream.linear.gather @p0 [spmem:s25], $0xC80, $0x38;
	[tilespmem:$0x17300] =	vst v63  }
0xfa: {  	[smem:s13], [sflag:$0x0] =	smem.add.s32 @!p0 $0x0  }
0xfb: {  	_ =	swait.done @!p0 [sflag:s31]  }
0xfc: {  	s9 =	ssyncread @!p0 [sflag:$0x0];
	_ =	sdelay $0x2  }
0xfd: {  	s9 =	sadd.s32 @!p0 s30, s9  }
0xfe: {  	s9 =	sshll.u32 @!p0 s9, $0x11  }
0xff: {  	[sflag:s31] =	ssyncset.s32 @!p0 $0x0;
	s9 =	sor.u32 @!p0 s9, s28  }
0x100: {  	[sflag:s31] =	ssyncset.done @!p0 $0x0;
	s9 =	sor.u32 @!p0 $0x1C02, s9  }
0x101: {  	[sflag:s9] =	ssyncadd.remote.s32 @!p0 $0x1;
	s9 =	simm.s32 @!p0 $0x8980  }
0x102: {  	[tilespmem:s9], [sflag:$0xC] =	stream.linear.gather @!p0 [spmem:s25], $0xC80, $0x38;
	[tilespmem:$0x17300] =	vst v63  }
0x103: {  	_ =	swait.ge @!p0 [sflag:s8], $0xC80  }
0x104: {  	[sflag:s8] =	ssyncset.done @!p0 $0x0  }
0x105: {  	[sflag:s8] =	ssyncadd.s32 @!p0 $0xFFFFF380;
	s8 =	simm.s32 @!p0 $0xA  }
0x106: {  	_ =	swait.ge @!p0 [sflag:s8], $0xC80  }
0x107: {  	[sflag:s8] =	ssyncset.done @!p0 $0x0  }
0x108: {  	[sflag:s8] =	ssyncadd.s32 @!p0 $0xFFFFF380;
	s8 =	simm.s32 @!p0 $0x2  }
0x109: {  	_ =	swait.ge @!p0 [sflag:s8], $0x1  }
0x10a: {  	[sflag:s8] =	ssyncset.done @!p0 $0x0  }
0x10b: {  	s9 =	rddreg [dreg:$0x16];
	[sflag:s8] =	ssyncadd.s32 @!p0 $0xFFFFFFFF;
	s8 =	simm.s32 @!p0 $0x9600  }
0x10c: {  	[tilespmem:s8], [sflag:$0xC] =	stream.linear.gather @!p0 [hbm4b:s9+s31], $0xC80, $0x38;
	[tilespmem:$0x17300] =	vst v63  }
0x10d: {  	_ =	swait.ge [sflag:s0], $0xC80  }
0x10e: {  	s8 =	simm.s32 @!p0 $0xB;
	[sflag:s0] =	ssyncset.done $0x0  }
0x10f: {  	s8 =	simm.s32 @p0 $0xA;
	[sflag:s0] =	ssyncadd.s32 $0xFFFFF380  }
0x110: {  	_ =	swait.ge [sflag:s8], $0xC80  }
0x111: {  	[sflag:s8] =	ssyncset.done $0x0  }
0x112: {  	s31 =	simm.s32 $0x0;
	[sflag:s8] =	ssyncadd.s32 $0xFFFFF380  }
0x113: {  	v1 =	vld [tilespmem:s31+$0x3E80]  }
0x114: {  	v6 =	vld [tilespmem:s31+$0x4B00]  }
0x115: {  	v4 =	vld [tilespmem:s31+$0x3E90]  }
0x116: {  	v8 =	vld [tilespmem:s31+$0x4B10]  }
0x117: {  	v3 =	vld [tilespmem:s31+$0x3EA0]  }
0x118: {  	v7 =	vld [tilespmem:s31+$0x4B20]  }
0x119: {  	v2 =	vld [tilespmem:s31+$0x3EB0]  }
0x11a: {  	v5 =	vld [tilespmem:s31+$0x4B30]  }
0x11b: {  	v9 =	vld [tilespmem:s31+$0x6400]  }
0x11c: {  	v10 =	vld [tilespmem:s31+$0x8980]  }
0x11d: {  	v15 =	vld [tilespmem:s31+$0x9600]  }
0x11e: {  	v11 =	vld [tilespmem:s31+$0x6410]  }
0x11f: {  	v13 =	vld [tilespmem:s31+$0x8990]  }
0x120: {  	v16 =	vld [tilespmem:s31+$0x9610]  }
0x121: {  	v12 =	vld [tilespmem:s31+$0x6420]  }
0x122: {  	v14 =	vld [tilespmem:s31+$0x89A0]  }
0x123: {  	s8 =	simm.s32 $0x100;
	v17 =	vld [tilespmem:s31+$0x9620]  }
.LBB2_5:
0x124: {  	p0 =	sne.s32 s8, $0x3100;
	v18 =	vld [tilespmem:s31+$0x6430]  }
0x125: {  	v19 =	vld [tilespmem:s31+$0x89B0]  }
0x126: {  	v20 =	vld [tilespmem:s31+$0x9630]  }
0x127: {  	v21 =	vld [tilespmem:s31+$0x5780]  }
0x128: {  	v9 =	vmul.f32 $1.157407410e-05, v9;
	v10 =	vadd.f32 v15, v10;
	v15 =	vld [tilespmem:s31+$0x5790]  }
0x129: {  	v11 =	vmul.f32 $1.157407410e-05, v11;
	v13 =	vadd.f32 v16, v13;
	v16 =	vld [tilespmem:s31+$0x57A0]  }
0x12a: {  	v9 =	vadd.f32 v10, v9;
	v10 =	vmul.f32 $1.157407410e-05, v12;
	v12 =	vadd.f32 v17, v14;
	v14 =	vld [tilespmem:s31+$0x57B0]  }
0x12b: {  	v11 =	vadd.f32 v13, v11;
	v13 =	vmul.f32 $1.157407410e-05, v18;
	v17 =	vld [tilespmem:s31+$0x3200];
	v18 =	vadd.f32 v20, v19  }
0x12c: {  	v6 =	vmul.f32 v9, v6;
	v10 =	vadd.f32 v12, v10;
	v1 =	vmul.f32 v21, v1;
	v9 =	vld [tilespmem:s31+$0x3210]  }
0x12d: {  	v8 =	vmul.f32 v11, v8;
	v4 =	vmul.f32 v15, v4;
	v11 =	vld [tilespmem:s31+$0x3220];
	v12 =	vadd.f32 v18, v13  }
0x12e: {  	s9 =	sshra.s32 s8, $0x2;
	v7 =	vmul.f32 v10, v7;
	v13 =	vadd.f32 v6, v1;
	v3 =	vmul.f32 v16, v3;
	v10 =	vld [tilespmem:s31+$0x3230]  }
0x12f: {  	v1 =	vld [tilespmem:s9+$0x3E80];
	v8 =	vadd.f32 v8, v4;
	v2 =	vmul.f32 v14, v2;
	v5 =	vmul.f32 v12, v5  }
0x130: {  	v6 =	vld [tilespmem:s9+$0x4B00];
	[tilespmem:s31+$0x5780] =	vst v13;
	v12 =	vmul.f32 v13, v17;
	v3 =	vadd.f32 v7, v3  }
0x131: {  	v4 =	vld [tilespmem:s9+$0x3E90];
	[tilespmem:s31+$0x5790] =	vst v8;
	v9 =	vmul.f32 v8, v9;
	v2 =	vadd.f32 v5, v2  }
0x132: {  	v8 =	vld [tilespmem:s9+$0x4B10];
	[tilespmem:s31+$0x57A0] =	vst v3;
	v11 =	vmul.f32 v3, v11  }
0x133: {  	v3 =	vld [tilespmem:s9+$0x3EA0];
	[tilespmem:s31+$0x57B0] =	vst v2;
	v10 =	vmul.f32 v2, v10  }
0x134: {  	v7 =	vld [tilespmem:s9+$0x4B20];
	[tilespmem:s31+$0x7080] =	vst v12  }
0x135: {  	v2 =	vld [tilespmem:s9+$0x3EB0];
	[tilespmem:s31+$0x7090] =	vst v9  }
0x136: {  	v5 =	vld [tilespmem:s9+$0x4B30];
	[tilespmem:s31+$0x70A0] =	vst v11  }
0x137: {  	v9 =	vld [tilespmem:s9+$0x6400];
	[tilespmem:s31+$0x70B0] =	vst v10;
	s31 =	smov.u32 s9  }
0x138: {  	v10 =	vld [tilespmem:s31+$0x8980]  }
0x139: {  	v15 =	vld [tilespmem:s31+$0x9600]  }
0x13a: {  	v11 =	vld [tilespmem:s31+$0x6410]  }
.Ltmp1:
0x13b: {  	v13 =	vld [tilespmem:s31+$0x8990];
	(pc) =	sbr.rel @p0 .LBB2_5-.Ltmp1, $4  }
0x13c: {  	v16 =	vld [tilespmem:s31+$0x9610]  }
0x13d: {  	v12 =	vld [tilespmem:s31+$0x6420]  }
0x13e: {  	v14 =	vld [tilespmem:s31+$0x89A0]  }
0x13f: {  	s8 =	sadd.s32 $0x100, s8;
	v17 =	vld [tilespmem:s31+$0x9620]  }
0x140: {  	v18 =	vld [tilespmem:s31+$0x6430]  }
0x141: {  	v19 =	vld [tilespmem:s31+$0x89B0]  }
0x142: {  	v20 =	vld [tilespmem:s31+$0x9630]  }
0x143: {  	v21 =	vld [tilespmem:s31+$0x5780];
	v9 =	vmul.f32 $1.157407410e-05, v9;
	v10 =	vadd.f32 v15, v10  }
0x144: {  	v50 =	vld [tilespmem:s31+$0x5790]  }
0x145: {  	v11 =	vmul.f32 $1.157407410e-05, v11;
	v51 =	vld [tilespmem:s31+$0x57A0];
	v13 =	vadd.f32 v16, v13;
	v9 =	vadd.f32 v10, v9  }
0x146: {  	v54 =	vld [tilespmem:s31+$0x57B0]  }
0x147: {  	v57 =	vld [tilespmem:s31+$0x3200];
	v52 =	vmul.f32 $1.157407410e-05, v12;
	v11 =	vadd.f32 v13, v11;
	v6 =	vmul.f32 v9, v6  }
0x148: {  	v59 =	vld [tilespmem:s31+$0x3210];
	v53 =	vadd.f32 v17, v14;
	v55 =	vmul.f32 $1.157407410e-05, v18;
	v1 =	vmul.f32 v21, v1  }
0x149: {  	v56 =	vadd.f32 v20, v19;
	v4 =	vmul.f32 v50, v4;
	v8 =	vmul.f32 v11, v8  }
0x14a: {  	v3 =	vmul.f32 v51, v3;
	v58 =	vadd.f32 v53, v52;
	v1 =	vadd.f32 v6, v1  }
0x14b: {  	v61 =	vld [tilespmem:s31+$0x3220];
	v2 =	vmul.f32 v54, v2;
	v60 =	vadd.f32 v56, v55;
	v4 =	vadd.f32 v8, v4  }
0x14c: {  	v63 =	vld [tilespmem:s31+$0x3230];
	v62 =	vmul.f32 v58, v7;
	[tilespmem:s31+$0x5780] =	vst v1;
	v1 =	vmul.f32 v1, v57  }
0x14d: {  	v5 =	vmul.f32 v60, v5;
	[tilespmem:s31+$0x5790] =	vst v4;
	v4 =	vmul.f32 v4, v59  }
0x14e: {  	s24 =	sadd.s32 $0x1, s24;
	v3 =	vadd.f32 v62, v3;
	[tilespmem:s31+$0x7080] =	vst v1  }
0x14f: {  	p0 =	sne.s32 s24, $0x32;
	v2 =	vadd.f32 v5, v2;
	[tilespmem:s31+$0x7090] =	vst v4  }
.Ltmp2:
0x150: {  	[tilespmem:s31+$0x57A0] =	vst v3;
	v3 =	vmul.f32 v3, v61;
	(pc) =	sbr.rel @p0 .LBB2_4-.Ltmp2, $4  }
0x151: {  	[tilespmem:s31+$0x57B0] =	vst v2;
	v1 =	vmul.f32 v2, v63  }
0x152: {  	s8 =	rddreg [dreg:$0x18];
	s10 =	simm.s32 $0x80;
	[tilespmem:s31+$0x70A0] =	vst v3  }
0x153: {  	s28 =	simm.s32 $0x400;
	s9 =	simm.s32 $0x5780;
	s8 =	sadd.s32 s8, s29;
	[tilespmem:s31+$0x70B0] =	vst v1  }
0x154: {  	[hbm4b:s8+s10] =	stream.strided.scatter [tilespmem:s9], [sflag:$0xB], $0xC80, s28, s10, $0x38;
	[tilespmem:$0x17300] =	vst v63  }
0x155: {  	s9 =	simm.s32 $0xB  }
0x156: {  	_ =	swait.ge [sflag:s9], $0xC80  }
0x157: {  	s13 =	sld [smem:$0x7FC]  }
0x158: {  	s8 =	sld [smem:$0x7FD];
	_ =	sdelay $0x1  }
0x159: {  	s13 =	sadd.s32 $0x1, s13  }
0x15a: {  	p0 =	sne.s32 s13, s8  }
.Ltmp3:
0x15b: {  	_ = 	snop;
	(pc) =	sbr.rel @p0 .LBB2_1-.Ltmp3, $3  }
0x15c: {  	_ =	sdelay $0x1  }
0x15d: {  	[sflag:s9] =	ssyncset.done $0x0  }
0x15e: {  	[sflag:s9] =	ssyncadd.s32 $0xFFFFF380  }
0x15f: {  	_ =	sfence.sel $0x180000  }
0x160: {  	[bflag:$0x0] =	sbarrier.arrive $0xFFFF  }
0x161: {  	_ =	strace $0x90000047  }
0x162: {  	s0 =	stileid.u32;
	[bflag:$0x2] =	sbarrier.arrive $0xFFFF  }
0x163: {  	p0 =	sne.s32 s0, $0x0;
	s0 =	rddreg [dreg:$0x4]  }
0x164: {  	s0 =	sadd.s32 @!p0 $0x100000, s0  }
0x165: {  	[sflag:s0] =	ssyncadd.tile.s32 @!p0 $0x1;
	_ =	shalt  }
.Lfunc_end2:
_tile_overlayer_lowered:
.L_overlay_start_2:
0x166: {  	(tag) =	ssettag $0x2  }
0x167: {  	s0 =	rddreg [dreg:$0x0];
	s2 =	stileid.u32  }
0x168: {  	s1 =	rddreg [dreg:$0x1];
	p0 =	sne.s32 s2, $0x0  }
0x169: {  	s3 =	rddreg [dreg:$0x2];
	[bflag:$0x3] =	sbarrier.arrive $0xFFFF;
	s2 =	simm.s32 @!p0 $0x1C0C  }
0x16a: {  	[timem:s3], [sflag:s2] =	dma.local @!p0 [hbm:s0], s1  }
0x16b: {  	s0 =	simm.s32 @!p0 $0xC  }
0x16c: {  	_ =	swait.ge @!p0 [sflag:s0], s1  }
0x16d: {  	s1 =	ssub.s32 @!p0 $0x0, s1;
	[sflag:s0] =	ssyncset.done @!p0 $0x0  }
0x16e: {  	[sflag:s0] =	ssyncadd.s32 @!p0 s1  }
0x16f: {  	[bflag:$0x3] =	sbarrier.arrive $0xFFFF  }
0x170: {  	_ =	shalt  }

</sc_bundles>
